<compile_context>
chip_gen: v7x
topology: tpu7x:2x2x1
jax: 0.10.2.dev20260603
libtpu: 0.0.44.dev20260713+nightly
codegen_flags: <defaults>
</compile_context>

<pallas_src>
import functools

import jax
import jax.numpy as jnp
from jax import lax
from jax.experimental import pallas as pl
from jax.experimental.pallas import tpu as pltpu
from jax.experimental.pallas import tpu_sc as plsc

F = 39
FP = 40
K = 10
KP = 16
B = 16384
TOTAL = B * FP
NC, NS = 2, 16
NW = NC * NS
PER_W = TOTAL // NW
NPL = 5
SPW = B // NW
CH = PER_W // NPL


@functools.cache
def _make_sc_gather():
    mesh = plsc.VectorSubcoreMesh(core_axis_name="c", subcore_axis_name="s")

    @functools.partial(
        pl.kernel,
        mesh=mesh,
        out_type=[jax.ShapeDtypeStruct((B * 8, KP), jnp.float32)
                  for _ in range(NPL)],
        scratch_types=[
            pltpu.VMEM((CH,), jnp.int32),
            pltpu.VMEM((CH, KP), jnp.float32),
            pltpu.SemaphoreType.DMA,
        ],
        compiler_params=pltpu.CompilerParams(use_tc_tiling_on_sc=False),
    )
    def _sc_gather(idx_hbm, tab_hbm, *out_and_scratch):
        outs = out_and_scratch[:NPL]
        idx_v, rows_v, sem = out_and_scratch[NPL:]
        wid = lax.axis_index("s") * NC + lax.axis_index("c")
        base = wid * PER_W
        sbase = wid * SPW
        for p in range(NPL):
            off = base + p * CH
            pltpu.sync_copy(idx_hbm.at[pl.ds(off, CH)], idx_v)
            pltpu.async_copy(tab_hbm.at[idx_v], rows_v, sem).wait()
            pltpu.sync_copy(rows_v, outs[p].at[pl.ds(sbase * 8, CH)])

    return _sc_gather


CN = 65536
CN8 = CN // 8
SH = CN8.bit_length() - 1


def _pack_body(vt_ref, wt_ref, out_ref):
    vt = vt_ref[...]
    wt = wt_ref[...]
    z = jnp.zeros((KP - K - 1, CN), jnp.float32)
    m = jnp.concatenate([vt, wt, z], axis=0)
    for q in range(CN // 1024):
        mq = jnp.concatenate(
            [m[:, CN8 * k + 128 * q: CN8 * k + 128 * q + 128]
             for k in range(8)], axis=0)
        out_ref[128 * q:128 * (q + 1), :] = mq.T


def _permute_idx(idx):
    o = idx & (CN - 1)
    return (idx & ~(CN - 1)) | ((o & (CN8 - 1)) << 3) | (o >> SH)


def _pack_table(v, w):
    fea = v.shape[0]
    grid = (fea + CN - 1) // CN
    out2d = pl.pallas_call(
        _pack_body,
        grid=(grid,),
        in_specs=[
            pl.BlockSpec((K, CN), lambda i: (0, i)),
            pl.BlockSpec((1, CN), lambda i: (0, i)),
        ],
        out_specs=pl.BlockSpec((CN * KP // 128, 128), lambda i: (i, 0)),
        out_shape=jax.ShapeDtypeStruct((grid * CN * KP // 128, 128), jnp.float32),
    )(v.T, w.T)
    return out2d.reshape(grid * CN, KP)


BB = 512


def _bdot(a, b):
    return jnp.dot(a.astype(jnp.bfloat16), b.astype(jnp.bfloat16),
                   preferred_element_type=jnp.float32)


def _tc_body(g0_ref, g1_ref, g2_ref, g3_ref, g4_ref, s_ref, w0_ref, b0_ref,
             w1_ref, b1_ref, w2_ref, b2_ref, w3_ref, b3_ref, out_ref):
    g = jnp.concatenate(
        [g0_ref[...], g1_ref[...], g2_ref[...], g3_ref[...], g4_ref[...]],
        axis=1)
    s = s_ref[...]
    sv = jnp.dot(g, s, preferred_element_type=jnp.float32)
    sv2 = jnp.dot(g * g, s, preferred_element_type=jnp.float32)
    mask = (lax.broadcasted_iota(jnp.int32, (1, 128), 1) != K).astype(jnp.float32)
    fm = 0.5 * jnp.sum(mask * (sv * sv - sv2), axis=1, keepdims=True)
    fm = fm + lax.slice(sv, (0, K), (sv.shape[0], K + 1))
    h = jnp.maximum(_bdot(g, w0_ref[...]) + b0_ref[...], 0.0)
    h = jnp.maximum(_bdot(h, w1_ref[...]) + b1_ref[...], 0.0)
    h = jnp.maximum(_bdot(h, w2_ref[...]) + b2_ref[...], 0.0)
    dnn = _bdot(h, w3_ref[...]) + b3_ref[...]
    out_ref[...] = jax.nn.sigmoid(fm + dnn)


def _tc_head(gs, sel, W0p, b0, W1, b1, W2, b2, W3, b3):
    d1 = W0p.shape[1]
    d2 = W1.shape[1]
    d3 = W2.shape[1]
    return pl.pallas_call(
        _tc_body,
        grid=(B // BB,),
        in_specs=[
            *[pl.BlockSpec((BB, 128), lambda i: (i, 0)) for _ in range(NPL)],
            pl.BlockSpec((FP * KP, 128), lambda i: (0, 0)),
            pl.BlockSpec((FP * KP, d1), lambda i: (0, 0)),
            pl.BlockSpec((1, d1), lambda i: (0, 0)),
            pl.BlockSpec((d1, d2), lambda i: (0, 0)),
            pl.BlockSpec((1, d2), lambda i: (0, 0)),
            pl.BlockSpec((d2, d3), lambda i: (0, 0)),
            pl.BlockSpec((1, d3), lambda i: (0, 0)),
            pl.BlockSpec((d3, 1), lambda i: (0, 0)),
            pl.BlockSpec((1, 1), lambda i: (0, 0)),
        ],
        out_specs=pl.BlockSpec((BB, 1), lambda i: (i, 0)),
        out_shape=jax.ShapeDtypeStruct((B, 1), jnp.float32),
    )(*gs, sel, W0p, b0.reshape(1, -1), W1, b1.reshape(1, -1),
      W2, b2.reshape(1, -1), W3, b3.reshape(1, -1))


def kernel(feature, w, v, W0, b0, W1, b1, W2, b2, W3, b3):
    feat40 = jnp.concatenate(
        [feature, (jnp.arange(B, dtype=feature.dtype) % v.shape[0]
                   ).reshape(B, 1)], axis=1)
    idx = _permute_idx(
        feat40.reshape(NW, SPW, NPL, 8).transpose(0, 2, 1, 3).reshape(-1))
    tab = _pack_table(v, w)
    gs = [r.reshape(B, 128) for r in _make_sc_gather()(idx, tab)]
    jj = jnp.arange(FP * KP)
    sel = ((jj[:, None] % KP == jnp.arange(128)[None, :]) & (jj[:, None] < F * KP)
           ).astype(jnp.float32)
    j = jnp.arange(F * K)
    W0p = jnp.zeros((FP * KP, W0.shape[1]), jnp.float32
                    ).at[(j // K) * KP + (j % K)].set(W0)
    out = _tc_head(gs, sel, W0p, b0, W1, b1, W2, b2, W3, b3)
    return out.reshape(-1)

# --- scband reference (transcript-rebuilt; emitter-appended) ---
"""Pipeline reference for scband-deep-fm-79001628443424 (READ-ONLY COPY).

The authoritative reference and input builder live on the scoring server;
editing this copy changes nothing except your own understanding.
"""

import jax, jax.numpy as jnp
import numpy as np

FEASIZE = 2325450
FIELDSIZE = 39
K = 10
BATCH = 16384
HIDDEN = [FIELDSIZE * K, 400, 400, 400]


def setup_inputs(seed: int = 0) -> dict:
    key = jax.random.key(seed)
    ks = jax.random.split(key, 12)
    feature = jax.random.randint(ks[0], (BATCH, FIELDSIZE), 0, FEASIZE, dtype=jnp.int64 if jax.config.jax_enable_x64 else jnp.int32)
    feature = feature.astype(jnp.int32)
    w = jax.random.normal(ks[1], (FEASIZE, 1), dtype=jnp.float32) * 0.01
    v = jax.random.normal(ks[2], (FEASIZE, K), dtype=jnp.float32) * 0.01
    inp = {"feature": feature, "w": w, "v": v}
    # DNN layers: 390->400, 400->400, 400->400, then Out 400->1
    dims = HIDDEN + [1]
    for i in range(len(dims) - 1):
        fan_in = dims[i]
        bound = 1.0 / np.sqrt(fan_in)
        inp[f"W{i}"] = jax.random.uniform(ks[3 + 2 * i], (dims[i], dims[i + 1]), minval=-bound, maxval=bound, dtype=jnp.float32)
        inp[f"b{i}"] = jax.random.uniform(ks[4 + 2 * i], (dims[i + 1],), minval=-bound, maxval=bound, dtype=jnp.float32)
    return inp


def reference(feature, w, v, W0, b0, W1, b1, W2, b2, W3, b3):
    batchsize = feature.shape[0]
    # FM second-order term
    V = jnp.take(v, feature, axis=0)  # [B, F, K]
    res = 0.5 * (jnp.power(V.sum(axis=1), 2) - jnp.power(V, 2).sum(axis=1)).sum(axis=1)  # [B]
    res = res.reshape(batchsize, 1)
    # FM first-order term
    W = jnp.take(w, feature, axis=0)  # [B, F, 1]
    res = res + W.sum(axis=1)  # [B, 1]
    # DNN (dropout is identity in eval mode)
    emb = V.reshape(batchsize, -1)  # [B, F*K]
    h = jax.nn.relu(emb @ W0 + b0)
    h = jax.nn.relu(h @ W1 + b1)
    h = jax.nn.relu(h @ W2 + b2)
    outdnn = h @ W3 + b3  # [B, 1]
    res = res + outdnn
    res = jax.nn.sigmoid(res)
    return res.reshape(-1)

if __name__ == "__main__":
    import jax
    _d = setup_inputs()
    print(jax.jit(kernel)(*tuple(_d.values())))

</pallas_src>

<mosaic_0001>
#map = affine_map<(d0, d1) -> (0)>
#map1 = affine_map<(d0, d1) -> (0, 0)>
module attributes {stable_mosaic.version = 14 : i64} {
  func.func @_sc_gather(%arg0: i32, %arg1: i32, %arg2: memref<655360xi32, #tpu.memory_space<hbm>>, %arg3: memref<2359296x16xf32, #tpu.memory_space<hbm>>, %arg4: memref<131072x16xf32, #tpu.memory_space<hbm>>, %arg5: memref<131072x16xf32, #tpu.memory_space<hbm>>, %arg6: memref<131072x16xf32, #tpu.memory_space<hbm>>, %arg7: memref<131072x16xf32, #tpu.memory_space<hbm>>, %arg8: memref<131072x16xf32, #tpu.memory_space<hbm>>, %arg9: memref<4096xi32, #tpu.memory_space<vmem>>, %arg10: memref<4096x16xf32, #tpu.memory_space<vmem>>, %arg11: memref<!tpu.dma_semaphore, #tpu.memory_space<semaphore_mem>>) attributes {dimension_semantics = [#tpu.dimension_semantics<core_parallel>, #tpu.dimension_semantics<subcore_parallel>], iteration_bounds = array<i64: 2, 16>, scalar_prefetch = 0 : i64, scratch_operands = 3 : i64, tpu.core_type = #tpu.core_type<sc_vector_subcore>, window_params = [{transform_indices = #map}, {transform_indices = #map1}, {transform_indices = #map1}, {transform_indices = #map1}, {transform_indices = #map1}, {transform_indices = #map1}, {transform_indices = #map1}]} {
    %mul3A = arith.constant 2 : i32
    %mul3A_0 = arith.muli %arg1, %mul3A : i32
    %add3A = arith.addi %mul3A_0, %arg0 : i32
    %mul3A_1 = arith.constant 20480 : i32
    %mul3A_2 = arith.muli %add3A, %mul3A_1 : i32
    %mul3A_3 = arith.constant 512 : i32
    %mul3A_4 = arith.muli %add3A, %mul3A_3 : i32
    %add3A_5 = arith.constant 0 : i32
    %add3A_6 = arith.addi %mul3A_2, %add3A_5 : i32
    "tpu.region"() ({
      %run_scoped3A = tpu.sem_alloc : memref<!tpu.dma_semaphore, #tpu.memory_space<semaphore_mem>>
      %dma_start3A_53 = tpu.memref_slice %arg2[%add3A_6] : memref<655360xi32, #tpu.memory_space<hbm>> -> memref<4096xi32, #tpu.memory_space<hbm>>
      %dma_start3A_54 = tpu.memref_slice %arg2[%add3A_6] : memref<655360xi32, #tpu.memory_space<hbm>> -> memref<4096xi32, #tpu.memory_space<hbm>>
      tpu.enqueue_dma source(%dma_start3A_54 : memref<4096xi32, #tpu.memory_space<hbm>>) target(%arg9 : memref<4096xi32, #tpu.memory_space<vmem>>) target_semaphore(%run_scoped3A : memref<!tpu.dma_semaphore, #tpu.memory_space<semaphore_mem>>)
      %dma_wait3A_55 = tpu.memref_slice %arg2[%add3A_6] : memref<655360xi32, #tpu.memory_space<hbm>> -> memref<4096xi32, #tpu.memory_space<hbm>>
      %dma_wait3A_56 = tpu.memref_slice %arg2[%add3A_6] : memref<655360xi32, #tpu.memory_space<hbm>> -> memref<4096xi32, #tpu.memory_space<hbm>>
      tpu.wait_dma2 semaphore(%run_scoped3A : memref<!tpu.dma_semaphore, #tpu.memory_space<semaphore_mem>>) src(%dma_wait3A_56 : memref<4096xi32, #tpu.memory_space<hbm>>) dst(%arg9 : memref<4096xi32, #tpu.memory_space<vmem>>)
      tpu.yield
    }) : () -> ()
    %dma_start3A = arith.constant 0 : i32
    %dma_start3A_7 = arith.constant 0 : i32
    %dma_start3A_8 = tpu.memref_slice %arg3[%dma_start3A, %dma_start3A_7] : memref<2359296x16xf32, #tpu.memory_space<hbm>> -> memref<2359296x16xf32, #tpu.memory_space<hbm>>
    tpu.enqueue_indirect_dma source(%dma_start3A_8 : memref<2359296x16xf32, #tpu.memory_space<hbm>>) target(%arg10 : memref<4096x16xf32, #tpu.memory_space<vmem>>) offsets(%arg9 : memref<4096xi32, #tpu.memory_space<vmem>>) semaphore(%arg11 : memref<!tpu.dma_semaphore, #tpu.memory_space<semaphore_mem>>)
    %dma_wait3A = arith.constant 0 : i32
    %dma_wait3A_9 = arith.constant 0 : i32
    %dma_wait3A_10 = tpu.memref_slice %arg3[%dma_wait3A, %dma_wait3A_9] : memref<2359296x16xf32, #tpu.memory_space<hbm>> -> memref<2359296x16xf32, #tpu.memory_space<hbm>>
    tpu.wait_indirect_dma semaphore(%arg11 : memref<!tpu.dma_semaphore, #tpu.memory_space<semaphore_mem>>) src(%dma_wait3A_10 : memref<2359296x16xf32, #tpu.memory_space<hbm>>) dst(%arg10 : memref<4096x16xf32, #tpu.memory_space<vmem>>)
    %mul3A_11 = arith.constant 8 : i32
    %mul3A_12 = arith.muli %mul3A_4, %mul3A_11 : i32
    "tpu.region"() ({
      %run_scoped3A = tpu.sem_alloc : memref<!tpu.dma_semaphore, #tpu.memory_space<semaphore_mem>>
      %dma_start3A_53 = arith.constant 0 : i32
      %dma_start3A_54 = tpu.memref_slice %arg4[%mul3A_12, %dma_start3A_53] : memref<131072x16xf32, #tpu.memory_space<hbm>> -> memref<4096x16xf32, #tpu.memory_space<hbm>>
      %dma_start3A_55 = arith.constant 0 : i32
      %dma_start3A_56 = tpu.memref_slice %arg4[%mul3A_12, %dma_start3A_55] : memref<131072x16xf32, #tpu.memory_space<hbm>> -> memref<4096x16xf32, #tpu.memory_space<hbm>>
      tpu.enqueue_dma source(%arg10 : memref<4096x16xf32, #tpu.memory_space<vmem>>) target(%dma_start3A_56 : memref<4096x16xf32, #tpu.memory_space<hbm>>) target_semaphore(%run_scoped3A : memref<!tpu.dma_semaphore, #tpu.memory_space<semaphore_mem>>)
      %dma_wait3A_57 = arith.constant 0 : i32
      %dma_wait3A_58 = tpu.memref_slice %arg4[%mul3A_12, %dma_wait3A_57] : memref<131072x16xf32, #tpu.memory_space<hbm>> -> memref<4096x16xf32, #tpu.memory_space<hbm>>
      %dma_wait3A_59 = arith.constant 0 : i32
      %dma_wait3A_60 = tpu.memref_slice %arg4[%mul3A_12, %dma_wait3A_59] : memref<131072x16xf32, #tpu.memory_space<hbm>> -> memref<4096x16xf32, #tpu.memory_space<hbm>>
      tpu.wait_dma2 semaphore(%run_scoped3A : memref<!tpu.dma_semaphore, #tpu.memory_space<semaphore_mem>>) src(%arg10 : memref<4096x16xf32, #tpu.memory_space<vmem>>) dst(%dma_wait3A_60 : memref<4096x16xf32, #tpu.memory_space<hbm>>)
      tpu.yield
    }) : () -> ()
    %add3A_13 = arith.constant 4096 : i32
    %add3A_14 = arith.addi %mul3A_2, %add3A_13 : i32
    "tpu.region"() ({
      %run_scoped3A = tpu.sem_alloc : memref<!tpu.dma_semaphore, #tpu.memory_space<semaphore_mem>>
      %dma_start3A_53 = tpu.memref_slice %arg2[%add3A_14] : memref<655360xi32, #tpu.memory_space<hbm>> -> memref<4096xi32, #tpu.memory_space<hbm>>
      %dma_start3A_54 = tpu.memref_slice %arg2[%add3A_14] : memref<655360xi32, #tpu.memory_space<hbm>> -> memref<4096xi32, #tpu.memory_space<hbm>>
      tpu.enqueue_dma source(%dma_start3A_54 : memref<4096xi32, #tpu.memory_space<hbm>>) target(%arg9 : memref<4096xi32, #tpu.memory_space<vmem>>) target_semaphore(%run_scoped3A : memref<!tpu.dma_semaphore, #tpu.memory_space<semaphore_mem>>)
      %dma_wait3A_55 = tpu.memref_slice %arg2[%add3A_14] : memref<655360xi32, #tpu.memory_space<hbm>> -> memref<4096xi32, #tpu.memory_space<hbm>>
      %dma_wait3A_56 = tpu.memref_slice %arg2[%add3A_14] : memref<655360xi32, #tpu.memory_space<hbm>> -> memref<4096xi32, #tpu.memory_space<hbm>>
      tpu.wait_dma2 semaphore(%run_scoped3A : memref<!tpu.dma_semaphore, #tpu.memory_space<semaphore_mem>>) src(%dma_wait3A_56 : memref<4096xi32, #tpu.memory_space<hbm>>) dst(%arg9 : memref<4096xi32, #tpu.memory_space<vmem>>)
      tpu.yield
    }) : () -> ()
    %dma_start3A_15 = arith.constant 0 : i32
    %dma_start3A_16 = arith.constant 0 : i32
    %dma_start3A_17 = tpu.memref_slice %arg3[%dma_start3A_15, %dma_start3A_16] : memref<2359296x16xf32, #tpu.memory_space<hbm>> -> memref<2359296x16xf32, #tpu.memory_space<hbm>>
    tpu.enqueue_indirect_dma source(%dma_start3A_17 : memref<2359296x16xf32, #tpu.memory_space<hbm>>) target(%arg10 : memref<4096x16xf32, #tpu.memory_space<vmem>>) offsets(%arg9 : memref<4096xi32, #tpu.memory_space<vmem>>) semaphore(%arg11 : memref<!tpu.dma_semaphore, #tpu.memory_space<semaphore_mem>>)
    %dma_wait3A_18 = arith.constant 0 : i32
    %dma_wait3A_19 = arith.constant 0 : i32
    %dma_wait3A_20 = tpu.memref_slice %arg3[%dma_wait3A_18, %dma_wait3A_19] : memref<2359296x16xf32, #tpu.memory_space<hbm>> -> memref<2359296x16xf32, #tpu.memory_space<hbm>>
    tpu.wait_indirect_dma semaphore(%arg11 : memref<!tpu.dma_semaphore, #tpu.memory_space<semaphore_mem>>) src(%dma_wait3A_20 : memref<2359296x16xf32, #tpu.memory_space<hbm>>) dst(%arg10 : memref<4096x16xf32, #tpu.memory_space<vmem>>)
    %mul3A_21 = arith.constant 8 : i32
    %mul3A_22 = arith.muli %mul3A_4, %mul3A_21 : i32
    "tpu.region"() ({
      %run_scoped3A = tpu.sem_alloc : memref<!tpu.dma_semaphore, #tpu.memory_space<semaphore_mem>>
      %dma_start3A_53 = arith.constant 0 : i32
      %dma_start3A_54 = tpu.memref_slice %arg5[%mul3A_22, %dma_start3A_53] : memref<131072x16xf32, #tpu.memory_space<hbm>> -> memref<4096x16xf32, #tpu.memory_space<hbm>>
      %dma_start3A_55 = arith.constant 0 : i32
      %dma_start3A_56 = tpu.memref_slice %arg5[%mul3A_22, %dma_start3A_55] : memref<131072x16xf32, #tpu.memory_space<hbm>> -> memref<4096x16xf32, #tpu.memory_space<hbm>>
      tpu.enqueue_dma source(%arg10 : memref<4096x16xf32, #tpu.memory_space<vmem>>) target(%dma_start3A_56 : memref<4096x16xf32, #tpu.memory_space<hbm>>) target_semaphore(%run_scoped3A : memref<!tpu.dma_semaphore, #tpu.memory_space<semaphore_mem>>)
      %dma_wait3A_57 = arith.constant 0 : i32
      %dma_wait3A_58 = tpu.memref_slice %arg5[%mul3A_22, %dma_wait3A_57] : memref<131072x16xf32, #tpu.memory_space<hbm>> -> memref<4096x16xf32, #tpu.memory_space<hbm>>
      %dma_wait3A_59 = arith.constant 0 : i32
      %dma_wait3A_60 = tpu.memref_slice %arg5[%mul3A_22, %dma_wait3A_59] : memref<131072x16xf32, #tpu.memory_space<hbm>> -> memref<4096x16xf32, #tpu.memory_space<hbm>>
      tpu.wait_dma2 semaphore(%run_scoped3A : memref<!tpu.dma_semaphore, #tpu.memory_space<semaphore_mem>>) src(%arg10 : memref<4096x16xf32, #tpu.memory_space<vmem>>) dst(%dma_wait3A_60 : memref<4096x16xf32, #tpu.memory_space<hbm>>)
      tpu.yield
    }) : () -> ()
    %add3A_23 = arith.constant 8192 : i32
    %add3A_24 = arith.addi %mul3A_2, %add3A_23 : i32
    "tpu.region"() ({
      %run_scoped3A = tpu.sem_alloc : memref<!tpu.dma_semaphore, #tpu.memory_space<semaphore_mem>>
      %dma_start3A_53 = tpu.memref_slice %arg2[%add3A_24] : memref<655360xi32, #tpu.memory_space<hbm>> -> memref<4096xi32, #tpu.memory_space<hbm>>
      %dma_start3A_54 = tpu.memref_slice %arg2[%add3A_24] : memref<655360xi32, #tpu.memory_space<hbm>> -> memref<4096xi32, #tpu.memory_space<hbm>>
      tpu.enqueue_dma source(%dma_start3A_54 : memref<4096xi32, #tpu.memory_space<hbm>>) target(%arg9 : memref<4096xi32, #tpu.memory_space<vmem>>) target_semaphore(%run_scoped3A : memref<!tpu.dma_semaphore, #tpu.memory_space<semaphore_mem>>)
      %dma_wait3A_55 = tpu.memref_slice %arg2[%add3A_24] : memref<655360xi32, #tpu.memory_space<hbm>> -> memref<4096xi32, #tpu.memory_space<hbm>>
      %dma_wait3A_56 = tpu.memref_slice %arg2[%add3A_24] : memref<655360xi32, #tpu.memory_space<hbm>> -> memref<4096xi32, #tpu.memory_space<hbm>>
      tpu.wait_dma2 semaphore(%run_scoped3A : memref<!tpu.dma_semaphore, #tpu.memory_space<semaphore_mem>>) src(%dma_wait3A_56 : memref<4096xi32, #tpu.memory_space<hbm>>) dst(%arg9 : memref<4096xi32, #tpu.memory_space<vmem>>)
      tpu.yield
    }) : () -> ()
    %dma_start3A_25 = arith.constant 0 : i32
    %dma_start3A_26 = arith.constant 0 : i32
    %dma_start3A_27 = tpu.memref_slice %arg3[%dma_start3A_25, %dma_start3A_26] : memref<2359296x16xf32, #tpu.memory_space<hbm>> -> memref<2359296x16xf32, #tpu.memory_space<hbm>>
    tpu.enqueue_indirect_dma source(%dma_start3A_27 : memref<2359296x16xf32, #tpu.memory_space<hbm>>) target(%arg10 : memref<4096x16xf32, #tpu.memory_space<vmem>>) offsets(%arg9 : memref<4096xi32, #tpu.memory_space<vmem>>) semaphore(%arg11 : memref<!tpu.dma_semaphore, #tpu.memory_space<semaphore_mem>>)
    %dma_wait3A_28 = arith.constant 0 : i32
    %dma_wait3A_29 = arith.constant 0 : i32
    %dma_wait3A_30 = tpu.memref_slice %arg3[%dma_wait3A_28, %dma_wait3A_29] : memref<2359296x16xf32, #tpu.memory_space<hbm>> -> memref<2359296x16xf32, #tpu.memory_space<hbm>>
    tpu.wait_indirect_dma semaphore(%arg11 : memref<!tpu.dma_semaphore, #tpu.memory_space<semaphore_mem>>) src(%dma_wait3A_30 : memref<2359296x16xf32, #tpu.memory_space<hbm>>) dst(%arg10 : memref<4096x16xf32, #tpu.memory_space<vmem>>)
    %mul3A_31 = arith.constant 8 : i32
    %mul3A_32 = arith.muli %mul3A_4, %mul3A_31 : i32
    "tpu.region"() ({
      %run_scoped3A = tpu.sem_alloc : memref<!tpu.dma_semaphore, #tpu.memory_space<semaphore_mem>>
      %dma_start3A_53 = arith.constant 0 : i32
      %dma_start3A_54 = tpu.memref_slice %arg6[%mul3A_32, %dma_start3A_53] : memref<131072x16xf32, #tpu.memory_space<hbm>> -> memref<4096x16xf32, #tpu.memory_space<hbm>>
      %dma_start3A_55 = arith.constant 0 : i32
      %dma_start3A_56 = tpu.memref_slice %arg6[%mul3A_32, %dma_start3A_55] : memref<131072x16xf32, #tpu.memory_space<hbm>> -> memref<4096x16xf32, #tpu.memory_space<hbm>>
      tpu.enqueue_dma source(%arg10 : memref<4096x16xf32, #tpu.memory_space<vmem>>) target(%dma_start3A_56 : memref<4096x16xf32, #tpu.memory_space<hbm>>) target_semaphore(%run_scoped3A : memref<!tpu.dma_semaphore, #tpu.memory_space<semaphore_mem>>)
      %dma_wait3A_57 = arith.constant 0 : i32
      %dma_wait3A_58 = tpu.memref_slice %arg6[%mul3A_32, %dma_wait3A_57] : memref<131072x16xf32, #tpu.memory_space<hbm>> -> memref<4096x16xf32, #tpu.memory_space<hbm>>
      %dma_wait3A_59 = arith.constant 0 : i32
      %dma_wait3A_60 = tpu.memref_slice %arg6[%mul3A_32, %dma_wait3A_59] : memref<131072x16xf32, #tpu.memory_space<hbm>> -> memref<4096x16xf32, #tpu.memory_space<hbm>>
      tpu.wait_dma2 semaphore(%run_scoped3A : memref<!tpu.dma_semaphore, #tpu.memory_space<semaphore_mem>>) src(%arg10 : memref<4096x16xf32, #tpu.memory_space<vmem>>) dst(%dma_wait3A_60 : memref<4096x16xf32, #tpu.memory_space<hbm>>)
      tpu.yield
    }) : () -> ()
    %add3A_33 = arith.constant 12288 : i32
    %add3A_34 = arith.addi %mul3A_2, %add3A_33 : i32
    "tpu.region"() ({
      %run_scoped3A = tpu.sem_alloc : memref<!tpu.dma_semaphore, #tpu.memory_space<semaphore_mem>>
      %dma_start3A_53 = tpu.memref_slice %arg2[%add3A_34] : memref<655360xi32, #tpu.memory_space<hbm>> -> memref<4096xi32, #tpu.memory_space<hbm>>
      %dma_start3A_54 = tpu.memref_slice %arg2[%add3A_34] : memref<655360xi32, #tpu.memory_space<hbm>> -> memref<4096xi32, #tpu.memory_space<hbm>>
      tpu.enqueue_dma source(%dma_start3A_54 : memref<4096xi32, #tpu.memory_space<hbm>>) target(%arg9 : memref<4096xi32, #tpu.memory_space<vmem>>) target_semaphore(%run_scoped3A : memref<!tpu.dma_semaphore, #tpu.memory_space<semaphore_mem>>)
      %dma_wait3A_55 = tpu.memref_slice %arg2[%add3A_34] : memref<655360xi32, #tpu.memory_space<hbm>> -> memref<4096xi32, #tpu.memory_space<hbm>>
      %dma_wait3A_56 = tpu.memref_slice %arg2[%add3A_34] : memref<655360xi32, #tpu.memory_space<hbm>> -> memref<4096xi32, #tpu.memory_space<hbm>>
      tpu.wait_dma2 semaphore(%run_scoped3A : memref<!tpu.dma_semaphore, #tpu.memory_space<semaphore_mem>>) src(%dma_wait3A_56 : memref<4096xi32, #tpu.memory_space<hbm>>) dst(%arg9 : memref<4096xi32, #tpu.memory_space<vmem>>)
      tpu.yield
    }) : () -> ()
    %dma_start3A_35 = arith.constant 0 : i32
    %dma_start3A_36 = arith.constant 0 : i32
    %dma_start3A_37 = tpu.memref_slice %arg3[%dma_start3A_35, %dma_start3A_36] : memref<2359296x16xf32, #tpu.memory_space<hbm>> -> memref<2359296x16xf32, #tpu.memory_space<hbm>>
    tpu.enqueue_indirect_dma source(%dma_start3A_37 : memref<2359296x16xf32, #tpu.memory_space<hbm>>) target(%arg10 : memref<4096x16xf32, #tpu.memory_space<vmem>>) offsets(%arg9 : memref<4096xi32, #tpu.memory_space<vmem>>) semaphore(%arg11 : memref<!tpu.dma_semaphore, #tpu.memory_space<semaphore_mem>>)
    %dma_wait3A_38 = arith.constant 0 : i32
    %dma_wait3A_39 = arith.constant 0 : i32
    %dma_wait3A_40 = tpu.memref_slice %arg3[%dma_wait3A_38, %dma_wait3A_39] : memref<2359296x16xf32, #tpu.memory_space<hbm>> -> memref<2359296x16xf32, #tpu.memory_space<hbm>>
    tpu.wait_indirect_dma semaphore(%arg11 : memref<!tpu.dma_semaphore, #tpu.memory_space<semaphore_mem>>) src(%dma_wait3A_40 : memref<2359296x16xf32, #tpu.memory_space<hbm>>) dst(%arg10 : memref<4096x16xf32, #tpu.memory_space<vmem>>)
    %mul3A_41 = arith.constant 8 : i32
    %mul3A_42 = arith.muli %mul3A_4, %mul3A_41 : i32
    "tpu.region"() ({
      %run_scoped3A = tpu.sem_alloc : memref<!tpu.dma_semaphore, #tpu.memory_space<semaphore_mem>>
      %dma_start3A_53 = arith.constant 0 : i32
      %dma_start3A_54 = tpu.memref_slice %arg7[%mul3A_42, %dma_start3A_53] : memref<131072x16xf32, #tpu.memory_space<hbm>> -> memref<4096x16xf32, #tpu.memory_space<hbm>>
      %dma_start3A_55 = arith.constant 0 : i32
      %dma_start3A_56 = tpu.memref_slice %arg7[%mul3A_42, %dma_start3A_55] : memref<131072x16xf32, #tpu.memory_space<hbm>> -> memref<4096x16xf32, #tpu.memory_space<hbm>>
      tpu.enqueue_dma source(%arg10 : memref<4096x16xf32, #tpu.memory_space<vmem>>) target(%dma_start3A_56 : memref<4096x16xf32, #tpu.memory_space<hbm>>) target_semaphore(%run_scoped3A : memref<!tpu.dma_semaphore, #tpu.memory_space<semaphore_mem>>)
      %dma_wait3A_57 = arith.constant 0 : i32
      %dma_wait3A_58 = tpu.memref_slice %arg7[%mul3A_42, %dma_wait3A_57] : memref<131072x16xf32, #tpu.memory_space<hbm>> -> memref<4096x16xf32, #tpu.memory_space<hbm>>
      %dma_wait3A_59 = arith.constant 0 : i32
      %dma_wait3A_60 = tpu.memref_slice %arg7[%mul3A_42, %dma_wait3A_59] : memref<131072x16xf32, #tpu.memory_space<hbm>> -> memref<4096x16xf32, #tpu.memory_space<hbm>>
      tpu.wait_dma2 semaphore(%run_scoped3A : memref<!tpu.dma_semaphore, #tpu.memory_space<semaphore_mem>>) src(%arg10 : memref<4096x16xf32, #tpu.memory_space<vmem>>) dst(%dma_wait3A_60 : memref<4096x16xf32, #tpu.memory_space<hbm>>)
      tpu.yield
    }) : () -> ()
    %add3A_43 = arith.constant 16384 : i32
    %add3A_44 = arith.addi %mul3A_2, %add3A_43 : i32
    "tpu.region"() ({
      %run_scoped3A = tpu.sem_alloc : memref<!tpu.dma_semaphore, #tpu.memory_space<semaphore_mem>>
      %dma_start3A_53 = tpu.memref_slice %arg2[%add3A_44] : memref<655360xi32, #tpu.memory_space<hbm>> -> memref<4096xi32, #tpu.memory_space<hbm>>
      %dma_start3A_54 = tpu.memref_slice %arg2[%add3A_44] : memref<655360xi32, #tpu.memory_space<hbm>> -> memref<4096xi32, #tpu.memory_space<hbm>>
      tpu.enqueue_dma source(%dma_start3A_54 : memref<4096xi32, #tpu.memory_space<hbm>>) target(%arg9 : memref<4096xi32, #tpu.memory_space<vmem>>) target_semaphore(%run_scoped3A : memref<!tpu.dma_semaphore, #tpu.memory_space<semaphore_mem>>)
      %dma_wait3A_55 = tpu.memref_slice %arg2[%add3A_44] : memref<655360xi32, #tpu.memory_space<hbm>> -> memref<4096xi32, #tpu.memory_space<hbm>>
      %dma_wait3A_56 = tpu.memref_slice %arg2[%add3A_44] : memref<655360xi32, #tpu.memory_space<hbm>> -> memref<4096xi32, #tpu.memory_space<hbm>>
      tpu.wait_dma2 semaphore(%run_scoped3A : memref<!tpu.dma_semaphore, #tpu.memory_space<semaphore_mem>>) src(%dma_wait3A_56 : memref<4096xi32, #tpu.memory_space<hbm>>) dst(%arg9 : memref<4096xi32, #tpu.memory_space<vmem>>)
      tpu.yield
    }) : () -> ()
    %dma_start3A_45 = arith.constant 0 : i32
    %dma_start3A_46 = arith.constant 0 : i32
    %dma_start3A_47 = tpu.memref_slice %arg3[%dma_start3A_45, %dma_start3A_46] : memref<2359296x16xf32, #tpu.memory_space<hbm>> -> memref<2359296x16xf32, #tpu.memory_space<hbm>>
    tpu.enqueue_indirect_dma source(%dma_start3A_47 : memref<2359296x16xf32, #tpu.memory_space<hbm>>) target(%arg10 : memref<4096x16xf32, #tpu.memory_space<vmem>>) offsets(%arg9 : memref<4096xi32, #tpu.memory_space<vmem>>) semaphore(%arg11 : memref<!tpu.dma_semaphore, #tpu.memory_space<semaphore_mem>>)
    %dma_wait3A_48 = arith.constant 0 : i32
    %dma_wait3A_49 = arith.constant 0 : i32
    %dma_wait3A_50 = tpu.memref_slice %arg3[%dma_wait3A_48, %dma_wait3A_49] : memref<2359296x16xf32, #tpu.memory_space<hbm>> -> memref<2359296x16xf32, #tpu.memory_space<hbm>>
    tpu.wait_indirect_dma semaphore(%arg11 : memref<!tpu.dma_semaphore, #tpu.memory_space<semaphore_mem>>) src(%dma_wait3A_50 : memref<2359296x16xf32, #tpu.memory_space<hbm>>) dst(%arg10 : memref<4096x16xf32, #tpu.memory_space<vmem>>)
    %mul3A_51 = arith.constant 8 : i32
    %mul3A_52 = arith.muli %mul3A_4, %mul3A_51 : i32
    "tpu.region"() ({
      %run_scoped3A = tpu.sem_alloc : memref<!tpu.dma_semaphore, #tpu.memory_space<semaphore_mem>>
      %dma_start3A_53 = arith.constant 0 : i32
      %dma_start3A_54 = tpu.memref_slice %arg8[%mul3A_52, %dma_start3A_53] : memref<131072x16xf32, #tpu.memory_space<hbm>> -> memref<4096x16xf32, #tpu.memory_space<hbm>>
      %dma_start3A_55 = arith.constant 0 : i32
      %dma_start3A_56 = tpu.memref_slice %arg8[%mul3A_52, %dma_start3A_55] : memref<131072x16xf32, #tpu.memory_space<hbm>> -> memref<4096x16xf32, #tpu.memory_space<hbm>>
      tpu.enqueue_dma source(%arg10 : memref<4096x16xf32, #tpu.memory_space<vmem>>) target(%dma_start3A_56 : memref<4096x16xf32, #tpu.memory_space<hbm>>) target_semaphore(%run_scoped3A : memref<!tpu.dma_semaphore, #tpu.memory_space<semaphore_mem>>)
      %dma_wait3A_57 = arith.constant 0 : i32
      %dma_wait3A_58 = tpu.memref_slice %arg8[%mul3A_52, %dma_wait3A_57] : memref<131072x16xf32, #tpu.memory_space<hbm>> -> memref<4096x16xf32, #tpu.memory_space<hbm>>
      %dma_wait3A_59 = arith.constant 0 : i32
      %dma_wait3A_60 = tpu.memref_slice %arg8[%mul3A_52, %dma_wait3A_59] : memref<131072x16xf32, #tpu.memory_space<hbm>> -> memref<4096x16xf32, #tpu.memory_space<hbm>>
      tpu.wait_dma2 semaphore(%run_scoped3A : memref<!tpu.dma_semaphore, #tpu.memory_space<semaphore_mem>>) src(%arg10 : memref<4096x16xf32, #tpu.memory_space<vmem>>) dst(%dma_wait3A_60 : memref<4096x16xf32, #tpu.memory_space<hbm>>)
      tpu.yield
    }) : () -> ()
    return
  }
}

module attributes {stable_mosaic.version = 14 : i64} {
  func.func @_pack_body(%arg0: i32, %arg1: memref<10x65536xf32, #tpu.memory_space<vmem>>, %arg2: memref<1x65536xf32, #tpu.memory_space<vmem>>, %arg3: memref<8192x128xf32, #tpu.memory_space<vmem>>) attributes {dimension_semantics = [#tpu.dimension_semantics<arbitrary>], iteration_bounds = array<i64: 36>, scalar_prefetch = 0 : i64, scratch_operands = 0 : i64, tpu.core_type = #tpu.core_type<tc>, window_params = [{transform_indices = @transform_0, window_bounds = array<i64: 10, 65536>}, {transform_indices = @transform_1, window_bounds = array<i64: 1, 65536>}, {transform_indices = @transform_2, window_bounds = array<i64: 8192, 128>}]} {
    %get3A = arith.constant 0 : index
    %get3A_0 = arith.constant 0 : index
    %get3A_1 = vector.load %arg1[%get3A, %get3A_0] : memref<10x65536xf32, #tpu.memory_space<vmem>>, vector<10x65536xf32>
    %get3A_2 = arith.constant 0 : index
    %get3A_3 = arith.constant 0 : index
    %get3A_4 = vector.load %arg2[%get3A_2, %get3A_3] : memref<1x65536xf32, #tpu.memory_space<vmem>>, vector<1x65536xf32>
    %broadcast_in_dim3A = arith.constant 0.000000e+00 : f32
    %broadcast_in_dim3A_5 = vector.broadcast %broadcast_in_dim3A : f32 to vector<5x65536xf32>
    %concatenate3A = tpu.concatenate %get3A_1, %get3A_4, %broadcast_in_dim3A_5 in 0 : vector<10x65536xf32>, vector<1x65536xf32>, vector<5x65536xf32> -> vector<16x65536xf32>
    %slice3A = vector.extract_strided_slice %concatenate3A {offsets = [0, 0], sizes = [16, 128], strides = [1, 1]} : vector<16x65536xf32> to vector<16x128xf32>
    %slice3A_6 = vector.extract_strided_slice %concatenate3A {offsets = [0, 8192], sizes = [16, 128], strides = [1, 1]} : vector<16x65536xf32> to vector<16x128xf32>
    %slice3A_7 = vector.extract_strided_slice %concatenate3A {offsets = [0, 16384], sizes = [16, 128], strides = [1, 1]} : vector<16x65536xf32> to vector<16x128xf32>
    %slice3A_8 = vector.extract_strided_slice %concatenate3A {offsets = [0, 24576], sizes = [16, 128], strides = [1, 1]} : vector<16x65536xf32> to vector<16x128xf32>
    %slice3A_9 = vector.extract_strided_slice %concatenate3A {offsets = [0, 32768], sizes = [16, 128], strides = [1, 1]} : vector<16x65536xf32> to vector<16x128xf32>
    %slice3A_10 = vector.extract_strided_slice %concatenate3A {offsets = [0, 40960], sizes = [16, 128], strides = [1, 1]} : vector<16x65536xf32> to vector<16x128xf32>
    %slice3A_11 = vector.extract_strided_slice %concatenate3A {offsets = [0, 49152], sizes = [16, 128], strides = [1, 1]} : vector<16x65536xf32> to vector<16x128xf32>
    %slice3A_12 = vector.extract_strided_slice %concatenate3A {offsets = [0, 57344], sizes = [16, 128], strides = [1, 1]} : vector<16x65536xf32> to vector<16x128xf32>
    %concatenate3A_13 = tpu.concatenate %slice3A, %slice3A_6, %slice3A_7, %slice3A_8, %slice3A_9, %slice3A_10, %slice3A_11, %slice3A_12 in 0 : vector<16x128xf32>, vector<16x128xf32>, vector<16x128xf32>, vector<16x128xf32>, vector<16x128xf32>, vector<16x128xf32>, vector<16x128xf32>, vector<16x128xf32> -> vector<128x128xf32>
    %transpose3A = tpu.transpose %concatenate3A_13, [1, 0] : vector<128x128xf32> -> vector<128x128xf32>
    %swap3A = arith.constant 0 : index
    %swap3A_14 = arith.constant 0 : index
    %swap3A_15 = vector.load %arg3[%swap3A, %swap3A_14] : memref<8192x128xf32, #tpu.memory_space<vmem>>, vector<128x128xf32>
    tpu.vector_store %arg3[%swap3A, %swap3A_14], %transpose3A {strides = array<i32>} : memref<8192x128xf32, #tpu.memory_space<vmem>>, vector<128x128xf32>,
    %slice3A_16 = vector.extract_strided_slice %concatenate3A {offsets = [0, 128], sizes = [16, 128], strides = [1, 1]} : vector<16x65536xf32> to vector<16x128xf32>
    %slice3A_17 = vector.extract_strided_slice %concatenate3A {offsets = [0, 8320], sizes = [16, 128], strides = [1, 1]} : vector<16x65536xf32> to vector<16x128xf32>
    %slice3A_18 = vector.extract_strided_slice %concatenate3A {offsets = [0, 16512], sizes = [16, 128], strides = [1, 1]} : vector<16x65536xf32> to vector<16x128xf32>
    %slice3A_19 = vector.extract_strided_slice %concatenate3A {offsets = [0, 24704], sizes = [16, 128], strides = [1, 1]} : vector<16x65536xf32> to vector<16x128xf32>
    %slice3A_20 = vector.extract_strided_slice %concatenate3A {offsets = [0, 32896], sizes = [16, 128], strides = [1, 1]} : vector<16x65536xf32> to vector<16x128xf32>
    %slice3A_21 = vector.extract_strided_slice %concatenate3A {offsets = [0, 41088], sizes = [16, 128], strides = [1, 1]} : vector<16x65536xf32> to vector<16x128xf32>
    %slice3A_22 = vector.extract_strided_slice %concatenate3A {offsets = [0, 49280], sizes = [16, 128], strides = [1, 1]} : vector<16x65536xf32> to vector<16x128xf32>
    %slice3A_23 = vector.extract_strided_slice %concatenate3A {offsets = [0, 57472], sizes = [16, 128], strides = [1, 1]} : vector<16x65536xf32> to vector<16x128xf32>
    %concatenate3A_24 = tpu.concatenate %slice3A_16, %slice3A_17, %slice3A_18, %slice3A_19, %slice3A_20, %slice3A_21, %slice3A_22, %slice3A_23 in 0 : vector<16x128xf32>, vector<16x128xf32>, vector<16x128xf32>, vector<16x128xf32>, vector<16x128xf32>, vector<16x128xf32>, vector<16x128xf32>, vector<16x128xf32> -> vector<128x128xf32>
    %transpose3A_25 = tpu.transpose %concatenate3A_24, [1, 0] : vector<128x128xf32> -> vector<128x128xf32>
    %swap3A_26 = arith.constant 128 : index
    %swap3A_27 = arith.constant 0 : index
    %swap3A_28 = vector.load %arg3[%swap3A_26, %swap3A_27] : memref<8192x128xf32, #tpu.memory_space<vmem>>, vector<128x128xf32>
    tpu.vector_store %arg3[%swap3A_26, %swap3A_27], %transpose3A_25 {strides = array<i32>} : memref<8192x128xf32, #tpu.memory_space<vmem>>, vector<128x128xf32>,
    %slice3A_29 = vector.extract_strided_slice %concatenate3A {offsets = [0, 256], sizes = [16, 128], strides = [1, 1]} : vector<16x65536xf32> to vector<16x128xf32>
    %slice3A_30 = vector.extract_strided_slice %concatenate3A {offsets = [0, 8448], sizes = [16, 128], strides = [1, 1]} : vector<16x65536xf32> to vector<16x128xf32>
    %slice3A_31 = vector.extract_strided_slice %concatenate3A {offsets = [0, 16640], sizes = [16, 128], strides = [1, 1]} : vector<16x65536xf32> to vector<16x128xf32>
    %slice3A_32 = vector.extract_strided_slice %concatenate3A {offsets = [0, 24832], sizes = [16, 128], strides = [1, 1]} : vector<16x65536xf32> to vector<16x128xf32>
    %slice3A_33 = vector.extract_strided_slice %concatenate3A {offsets = [0, 33024], sizes = [16, 128], strides = [1, 1]} : vector<16x65536xf32> to vector<16x128xf32>
    %slice3A_34 = vector.extract_strided_slice %concatenate3A {offsets = [0, 41216], sizes = [16, 128], strides = [1, 1]} : vector<16x65536xf32> to vector<16x128xf32>
    %slice3A_35 = vector.extract_strided_slice %concatenate3A {offsets = [0, 49408], sizes = [16, 128], strides = [1, 1]} : vector<16x65536xf32> to vector<16x128xf32>
    %slice3A_36 = vector.extract_strided_slice %concatenate3A {offsets = [0, 57600], sizes = [16, 128], strides = [1, 1]} : vector<16x65536xf32> to vector<16x128xf32>
    %concatenate3A_37 = tpu.concatenate %slice3A_29, %slice3A_30, %slice3A_31, %slice3A_32, %slice3A_33, %slice3A_34, %slice3A_35, %slice3A_36 in 0 : vector<16x128xf32>, vector<16x128xf32>, vector<16x128xf32>, vector<16x128xf32>, vector<16x128xf32>, vector<16x128xf32>, vector<16x128xf32>, vector<16x128xf32> -> vector<128x128xf32>
    %transpose3A_38 = tpu.transpose %concatenate3A_37, [1, 0] : vector<128x128xf32> -> vector<128x128xf32>
    %swap3A_39 = arith.constant 256 : index
    %swap3A_40 = arith.constant 0 : index
    %swap3A_41 = vector.load %arg3[%swap3A_39, %swap3A_40] : memref<8192x128xf32, #tpu.memory_space<vmem>>, vector<128x128xf32>
    tpu.vector_store %arg3[%swap3A_39, %swap3A_40], %transpose3A_38 {strides = array<i32>} : memref<8192x128xf32, #tpu.memory_space<vmem>>, vector<128x128xf32>,
    %slice3A_42 = vector.extract_strided_slice %concatenate3A {offsets = [0, 384], sizes = [16, 128], strides = [1, 1]} : vector<16x65536xf32> to vector<16x128xf32>
    %slice3A_43 = vector.extract_strided_slice %concatenate3A {offsets = [0, 8576], sizes = [16, 128], strides = [1, 1]} : vector<16x65536xf32> to vector<16x128xf32>
    %slice3A_44 = vector.extract_strided_slice %concatenate3A {offsets = [0, 16768], sizes = [16, 128], strides = [1, 1]} : vector<16x65536xf32> to vector<16x128xf32>
    %slice3A_45 = vector.extract_strided_slice %concatenate3A {offsets = [0, 24960], sizes = [16, 128], strides = [1, 1]} : vector<16x65536xf32> to vector<16x128xf32>
    %slice3A_46 = vector.extract_strided_slice %concatenate3A {offsets = [0, 33152], sizes = [16, 128], strides = [1, 1]} : vector<16x65536xf32> to vector<16x128xf32>
    %slice3A_47 = vector.extract_strided_slice %concatenate3A {offsets = [0, 41344], sizes = [16, 128], strides = [1, 1]} : vector<16x65536xf32> to vector<16x128xf32>
    %slice3A_48 = vector.extract_strided_slice %concatenate3A {offsets = [0, 49536], sizes = [16, 128], strides = [1, 1]} : vector<16x65536xf32> to vector<16x128xf32>
    %slice3A_49 = vector.extract_strided_slice %concatenate3A {offsets = [0, 57728], sizes = [16, 128], strides = [1, 1]} : vector<16x65536xf32> to vector<16x128xf32>
    %concatenate3A_50 = tpu.concatenate %slice3A_42, %slice3A_43, %slice3A_44, %slice3A_45, %slice3A_46, %slice3A_47, %slice3A_48, %slice3A_49 in 0 : vector<16x128xf32>, vector<16x128xf32>, vector<16x128xf32>, vector<16x128xf32>, vector<16x128xf32>, vector<16x128xf32>, vector<16x128xf32>, vector<16x128xf32> -> vector<128x128xf32>
    %transpose3A_51 = tpu.transpose %concatenate3A_50, [1, 0] : vector<128x128xf32> -> vector<128x128xf32>
    %swap3A_52 = arith.constant 384 : index
    %swap3A_53 = arith.constant 0 : index
    %swap3A_54 = vector.load %arg3[%swap3A_52, %swap3A_53] : memref<8192x128xf32, #tpu.memory_space<vmem>>, vector<128x128xf32>
    tpu.vector_store %arg3[%swap3A_52, %swap3A_53], %transpose3A_51 {strides = array<i32>} : memref<8192x128xf32, #tpu.memory_space<vmem>>, vector<128x128xf32>,
    %slice3A_55 = vector.extract_strided_slice %concatenate3A {offsets = [0, 512], sizes = [16, 128], strides = [1, 1]} : vector<16x65536xf32> to vector<16x128xf32>
    %slice3A_56 = vector.extract_strided_slice %concatenate3A {offsets = [0, 8704], sizes = [16, 128], strides = [1, 1]} : vector<16x65536xf32> to vector<16x128xf32>
    %slice3A_57 = vector.extract_strided_slice %concatenate3A {offsets = [0, 16896], sizes = [16, 128], strides = [1, 1]} : vector<16x65536xf32> to vector<16x128xf32>
    %slice3A_58 = vector.extract_strided_slice %concatenate3A {offsets = [0, 25088], sizes = [16, 128], strides = [1, 1]} : vector<16x65536xf32> to vector<16x128xf32>
    %slice3A_59 = vector.extract_strided_slice %concatenate3A {offsets = [0, 33280], sizes = [16, 128], strides = [1, 1]} : vector<16x65536xf32> to vector<16x128xf32>
    %slice3A_60 = vector.extract_strided_slice %concatenate3A {offsets = [0, 41472], sizes = [16, 128], strides = [1, 1]} : vector<16x65536xf32> to vector<16x128xf32>
    %slice3A_61 = vector.extract_strided_slice %concatenate3A {offsets = [0, 49664], sizes = [16, 128], strides = [1, 1]} : vector<16x65536xf32> to vector<16x128xf32>
    %slice3A_62 = vector.extract_strided_slice %concatenate3A {offsets = [0, 57856], sizes = [16, 128], strides = [1, 1]} : vector<16x65536xf32> to vector<16x128xf32>
    %concatenate3A_63 = tpu.concatenate %slice3A_55, %slice3A_56, %slice3A_57, %slice3A_58, %slice3A_59, %slice3A_60, %slice3A_61, %slice3A_62 in 0 : vector<16x128xf32>, vector<16x128xf32>, vector<16x128xf32>, vector<16x128xf32>, vector<16x128xf32>, vector<16x128xf32>, vector<16x128xf32>, vector<16x128xf32> -> vector<128x128xf32>
    %transpose3A_64 = tpu.transpose %concatenate3A_63, [1, 0] : vector<128x128xf32> -> vector<128x128xf32>
    %swap3A_65 = arith.constant 512 : index
    %swap3A_66 = arith.constant 0 : index
    %swap3A_67 = vector.load %arg3[%swap3A_65, %swap3A_66] : memref<8192x128xf32, #tpu.memory_space<vmem>>, vector<128x128xf32>
    tpu.vector_store %arg3[%swap3A_65, %swap3A_66], %transpose3A_64 {strides = array<i32>} : memref<8192x128xf32, #tpu.memory_space<vmem>>, vector<128x128xf32>,
    %slice3A_68 = vector.extract_strided_slice %concatenate3A {offsets = [0, 640], sizes = [16, 128], strides = [1, 1]} : vector<16x65536xf32> to vector<16x128xf32>
    %slice3A_69 = vector.extract_strided_slice %concatenate3A {offsets = [0, 8832], sizes = [16, 128], strides = [1, 1]} : vector<16x65536xf32> to vector<16x128xf32>
    %slice3A_70 = vector.extract_strided_slice %concatenate3A {offsets = [0, 17024], sizes = [16, 128], strides = [1, 1]} : vector<16x65536xf32> to vector<16x128xf32>
    %slice3A_71 = vector.extract_strided_slice %concatenate3A {offsets = [0, 25216], sizes = [16, 128], strides = [1, 1]} : vector<16x65536xf32> to vector<16x128xf32>
    %slice3A_72 = vector.extract_strided_slice %concatenate3A {offsets = [0, 33408], sizes = [16, 128], strides = [1, 1]} : vector<16x65536xf32> to vector<16x128xf32>
    %slice3A_73 = vector.extract_strided_slice %concatenate3A {offsets = [0, 41600], sizes = [16, 128], strides = [1, 1]} : vector<16x65536xf32> to vector<16x128xf32>
    %slice3A_74 = vector.extract_strided_slice %concatenate3A {offsets = [0, 49792], sizes = [16, 128], strides = [1, 1]} : vector<16x65536xf32> to vector<16x128xf32>
    %slice3A_75 = vector.extract_strided_slice %concatenate3A {offsets = [0, 57984], sizes = [16, 128], strides = [1, 1]} : vector<16x65536xf32> to vector<16x128xf32>
    %concatenate3A_76 = tpu.concatenate %slice3A_68, %slice3A_69, %slice3A_70, %slice3A_71, %slice3A_72, %slice3A_73, %slice3A_74, %slice3A_75 in 0 : vector<16x128xf32>, vector<16x128xf32>, vector<16x128xf32>, vector<16x128xf32>, vector<16x128xf32>, vector<16x128xf32>, vector<16x128xf32>, vector<16x128xf32> -> vector<128x128xf32>
    %transpose3A_77 = tpu.transpose %concatenate3A_76, [1, 0] : vector<128x128xf32> -> vector<128x128xf32>
    %swap3A_78 = arith.constant 640 : index
    %swap3A_79 = arith.constant 0 : index
    %swap3A_80 = vector.load %arg3[%swap3A_78, %swap3A_79] : memref<8192x128xf32, #tpu.memory_space<vmem>>, vector<128x128xf32>
    tpu.vector_store %arg3[%swap3A_78, %swap3A_79], %transpose3A_77 {strides = array<i32>} : memref<8192x128xf32, #tpu.memory_space<vmem>>, vector<128x128xf32>,
    %slice3A_81 = vector.extract_strided_slice %concatenate3A {offsets = [0, 768], sizes = [16, 128], strides = [1, 1]} : vector<16x65536xf32> to vector<16x128xf32>
    %slice3A_82 = vector.extract_strided_slice %concatenate3A {offsets = [0, 8960], sizes = [16, 128], strides = [1, 1]} : vector<16x65536xf32> to vector<16x128xf32>
    %slice3A_83 = vector.extract_strided_slice %concatenate3A {offsets = [0, 17152], sizes = [16, 128], strides = [1, 1]} : vector<16x65536xf32> to vector<16x128xf32>
    %slice3A_84 = vector.extract_strided_slice %concatenate3A {offsets = [0, 25344], sizes = [16, 128], strides = [1, 1]} : vector<16x65536xf32> to vector<16x128xf32>
    %slice3A_85 = vector.extract_strided_slice %concatenate3A {offsets = [0, 33536], sizes = [16, 128], strides = [1, 1]} : vector<16x65536xf32> to vector<16x128xf32>
    %slice3A_86 = vector.extract_strided_slice %concatenate3A {offsets = [0, 41728], sizes = [16, 128], strides = [1, 1]} : vector<16x65536xf32> to vector<16x128xf32>
    %slice3A_87 = vector.extract_strided_slice %concatenate3A {offsets = [0, 49920], sizes = [16, 128], strides = [1, 1]} : vector<16x65536xf32> to vector<16x128xf32>
    %slice3A_88 = vector.extract_strided_slice %concatenate3A {offsets = [0, 58112], sizes = [16, 128], strides = [1, 1]} : vector<16x65536xf32> to vector<16x128xf32>
    %concatenate3A_89 = tpu.concatenate %slice3A_81, %slice3A_82, %slice3A_83, %slice3A_84, %slice3A_85, %slice3A_86, %slice3A_87, %slice3A_88 in 0 : vector<16x128xf32>, vector<16x128xf32>, vector<16x128xf32>, vector<16x128xf32>, vector<16x128xf32>, vector<16x128xf32>, vector<16x128xf32>, vector<16x128xf32> -> vector<128x128xf32>
    %transpose3A_90 = tpu.transpose %concatenate3A_89, [1, 0] : vector<128x128xf32> -> vector<128x128xf32>
    %swap3A_91 = arith.constant 768 : index
    %swap3A_92 = arith.constant 0 : index
    %swap3A_93 = vector.load %arg3[%swap3A_91, %swap3A_92] : memref<8192x128xf32, #tpu.memory_space<vmem>>, vector<128x128xf32>
    tpu.vector_store %arg3[%swap3A_91, %swap3A_92], %transpose3A_90 {strides = array<i32>} : memref<8192x128xf32, #tpu.memory_space<vmem>>, vector<128x128xf32>,
    %slice3A_94 = vector.extract_strided_slice %concatenate3A {offsets = [0, 896], sizes = [16, 128], strides = [1, 1]} : vector<16x65536xf32> to vector<16x128xf32>
    %slice3A_95 = vector.extract_strided_slice %concatenate3A {offsets = [0, 9088], sizes = [16, 128], strides = [1, 1]} : vector<16x65536xf32> to vector<16x128xf32>
    %slice3A_96 = vector.extract_strided_slice %concatenate3A {offsets = [0, 17280], sizes = [16, 128], strides = [1, 1]} : vector<16x65536xf32> to vector<16x128xf32>
    %slice3A_97 = vector.extract_strided_slice %concatenate3A {offsets = [0, 25472], sizes = [16, 128], strides = [1, 1]} : vector<16x65536xf32> to vector<16x128xf32>
    %slice3A_98 = vector.extract_strided_slice %concatenate3A {offsets = [0, 33664], sizes = [16, 128], strides = [1, 1]} : vector<16x65536xf32> to vector<16x128xf32>
    %slice3A_99 = vector.extract_strided_slice %concatenate3A {offsets = [0, 41856], sizes = [16, 128], strides = [1, 1]} : vector<16x65536xf32> to vector<16x128xf32>
    %slice3A_100 = vector.extract_strided_slice %concatenate3A {offsets = [0, 50048], sizes = [16, 128], strides = [1, 1]} : vector<16x65536xf32> to vector<16x128xf32>
    %slice3A_101 = vector.extract_strided_slice %concatenate3A {offsets = [0, 58240], sizes = [16, 128], strides = [1, 1]} : vector<16x65536xf32> to vector<16x128xf32>
    %concatenate3A_102 = tpu.concatenate %slice3A_94, %slice3A_95, %slice3A_96, %slice3A_97, %slice3A_98, %slice3A_99, %slice3A_100, %slice3A_101 in 0 : vector<16x128xf32>, vector<16x128xf32>, vector<16x128xf32>, vector<16x128xf32>, vector<16x128xf32>, vector<16x128xf32>, vector<16x128xf32>, vector<16x128xf32> -> vector<128x128xf32>
    %transpose3A_103 = tpu.transpose %concatenate3A_102, [1, 0] : vector<128x128xf32> -> vector<128x128xf32>
    %swap3A_104 = arith.constant 896 : index
    %swap3A_105 = arith.constant 0 : index
    %swap3A_106 = vector.load %arg3[%swap3A_104, %swap3A_105] : memref<8192x128xf32, #tpu.memory_space<vmem>>, vector<128x128xf32>
    tpu.vector_store %arg3[%swap3A_104, %swap3A_105], %transpose3A_103 {strides = array<i32>} : memref<8192x128xf32, #tpu.memory_space<vmem>>, vector<128x128xf32>,
    %slice3A_107 = vector.extract_strided_slice %concatenate3A {offsets = [0, 1024], sizes = [16, 128], strides = [1, 1]} : vector<16x65536xf32> to vector<16x128xf32>
    %slice3A_108 = vector.extract_strided_slice %concatenate3A {offsets = [0, 9216], sizes = [16, 128], strides = [1, 1]} : vector<16x65536xf32> to vector<16x128xf32>
    %slice3A_109 = vector.extract_strided_slice %concatenate3A {offsets = [0, 17408], sizes = [16, 128], strides = [1, 1]} : vector<16x65536xf32> to vector<16x128xf32>
    %slice3A_110 = vector.extract_strided_slice %concatenate3A {offsets = [0, 25600], sizes = [16, 128], strides = [1, 1]} : vector<16x65536xf32> to vector<16x128xf32>
    %slice3A_111 = vector.extract_strided_slice %concatenate3A {offsets = [0, 33792], sizes = [16, 128], strides = [1, 1]} : vector<16x65536xf32> to vector<16x128xf32>
    %slice3A_112 = vector.extract_strided_slice %concatenate3A {offsets = [0, 41984], sizes = [16, 128], strides = [1, 1]} : vector<16x65536xf32> to vector<16x128xf32>
    %slice3A_113 = vector.extract_strided_slice %concatenate3A {offsets = [0, 50176], sizes = [16, 128], strides = [1, 1]} : vector<16x65536xf32> to vector<16x128xf32>
    %slice3A_114 = vector.extract_strided_slice %concatenate3A {offsets = [0, 58368], sizes = [16, 128], strides = [1, 1]} : vector<16x65536xf32> to vector<16x128xf32>
    %concatenate3A_115 = tpu.concatenate %slice3A_107, %slice3A_108, %slice3A_109, %slice3A_110, %slice3A_111, %slice3A_112, %slice3A_113, %slice3A_114 in 0 : vector<16x128xf32>, vector<16x128xf32>, vector<16x128xf32>, vector<16x128xf32>, vector<16x128xf32>, vector<16x128xf32>, vector<16x128xf32>, vector<16x128xf32> -> vector<128x128xf32>
    %transpose3A_116 = tpu.transpose %concatenate3A_115, [1, 0] : vector<128x128xf32> -> vector<128x128xf32>
    %swap3A_117 = arith.constant 1024 : index
    %swap3A_118 = arith.constant 0 : index
    %swap3A_119 = vector.load %arg3[%swap3A_117, %swap3A_118] : memref<8192x128xf32, #tpu.memory_space<vmem>>, vector<128x128xf32>
    tpu.vector_store %arg3[%swap3A_117, %swap3A_118], %transpose3A_116 {strides = array<i32>} : memref<8192x128xf32, #tpu.memory_space<vmem>>, vector<128x128xf32>,
    %slice3A_120 = vector.extract_strided_slice %concatenate3A {offsets = [0, 1152], sizes = [16, 128], strides = [1, 1]} : vector<16x65536xf32> to vector<16x128xf32>
    %slice3A_121 = vector.extract_strided_slice %concatenate3A {offsets = [0, 9344], sizes = [16, 128], strides = [1, 1]} : vector<16x65536xf32> to vector<16x128xf32>
    %slice3A_122 = vector.extract_strided_slice %concatenate3A {offsets = [0, 17536], sizes = [16, 128], strides = [1, 1]} : vector<16x65536xf32> to vector<16x128xf32>
    %slice3A_123 = vector.extract_strided_slice %concatenate3A {offsets = [0, 25728], sizes = [16, 128], strides = [1, 1]} : vector<16x65536xf32> to vector<16x128xf32>
    %slice3A_124 = vector.extract_strided_slice %concatenate3A {offsets = [0, 33920], sizes = [16, 128], strides = [1, 1]} : vector<16x65536xf32> to vector<16x128xf32>
    %slice3A_125 = vector.extract_strided_slice %concatenate3A {offsets = [0, 42112], sizes = [16, 128], strides = [1, 1]} : vector<16x65536xf32> to vector<16x128xf32>
    %slice3A_126 = vector.extract_strided_slice %concatenate3A {offsets = [0, 50304], sizes = [16, 128], strides = [1, 1]} : vector<16x65536xf32> to vector<16x128xf32>
    %slice3A_127 = vector.extract_strided_slice %concatenate3A {offsets = [0, 58496], sizes = [16, 128], strides = [1, 1]} : vector<16x65536xf32> to vector<16x128xf32>
    %concatenate3A_128 = tpu.concatenate %slice3A_120, %slice3A_121, %slice3A_122, %slice3A_123, %slice3A_124, %slice3A_125, %slice3A_126, %slice3A_127 in 0 : vector<16x128xf32>, vector<16x128xf32>, vector<16x128xf32>, vector<16x128xf32>, vector<16x128xf32>, vector<16x128xf32>, vector<16x128xf32>, vector<16x128xf32> -> vector<128x128xf32>
    %transpose3A_129 = tpu.transpose %concatenate3A_128, [1, 0] : vector<128x128xf32> -> vector<128x128xf32>
    %swap3A_130 = arith.constant 1152 : index
    %swap3A_131 = arith.constant 0 : index
    %swap3A_132 = vector.load %arg3[%swap3A_130, %swap3A_131] : memref<8192x128xf32, #tpu.memory_space<vmem>>, vector<128x128xf32>
    tpu.vector_store %arg3[%swap3A_130, %swap3A_131], %transpose3A_129 {strides = array<i32>} : memref<8192x128xf32, #tpu.memory_space<vmem>>, vector<128x128xf32>,
    %slice3A_133 = vector.extract_strided_slice %concatenate3A {offsets = [0, 1280], sizes = [16, 128], strides = [1, 1]} : vector<16x65536xf32> to vector<16x128xf32>
    %slice3A_134 = vector.extract_strided_slice %concatenate3A {offsets = [0, 9472], sizes = [16, 128], strides = [1, 1]} : vector<16x65536xf32> to vector<16x128xf32>
    %slice3A_135 = vector.extract_strided_slice %concatenate3A {offsets = [0, 17664], sizes = [16, 128], strides = [1, 1]} : vector<16x65536xf32> to vector<16x128xf32>
    %slice3A_136 = vector.extract_strided_slice %concatenate3A {offsets = [0, 25856], sizes = [16, 128], strides = [1, 1]} : vector<16x65536xf32> to vector<16x128xf32>
    %slice3A_137 = vector.extract_strided_slice %concatenate3A {offsets = [0, 34048], sizes = [16, 128], strides = [1, 1]} : vector<16x65536xf32> to vector<16x128xf32>
    %slice3A_138 = vector.extract_strided_slice %concatenate3A {offsets = [0, 42240], sizes = [16, 128], strides = [1, 1]} : vector<16x65536xf32> to vector<16x128xf32>
    %slice3A_139 = vector.extract_strided_slice %concatenate3A {offsets = [0, 50432], sizes = [16, 128], strides = [1, 1]} : vector<16x65536xf32> to vector<16x128xf32>
    %slice3A_140 = vector.extract_strided_slice %concatenate3A {offsets = [0, 58624], sizes = [16, 128], strides = [1, 1]} : vector<16x65536xf32> to vector<16x128xf32>
    %concatenate3A_141 = tpu.concatenate %slice3A_133, %slice3A_134, %slice3A_135, %slice3A_136, %slice3A_137, %slice3A_138, %slice3A_139, %slice3A_140 in 0 : vector<16x128xf32>, vector<16x128xf32>, vector<16x128xf32>, vector<16x128xf32>, vector<16x128xf32>, vector<16x128xf32>, vector<16x128xf32>, vector<16x128xf32> -> vector<128x128xf32>
    %transpose3A_142 = tpu.transpose %concatenate3A_141, [1, 0] : vector<128x128xf32> -> vector<128x128xf32>
    %swap3A_143 = arith.constant 1280 : index
    %swap3A_144 = arith.constant 0 : index
    %swap3A_145 = vector.load %arg3[%swap3A_143, %swap3A_144] : memref<8192x128xf32, #tpu.memory_space<vmem>>, vector<128x128xf32>
    tpu.vector_store %arg3[%swap3A_143, %swap3A_144], %transpose3A_142 {strides = array<i32>} : memref<8192x128xf32, #tpu.memory_space<vmem>>, vector<128x128xf32>,
    %slice3A_146 = vector.extract_strided_slice %concatenate3A {offsets = [0, 1408], sizes = [16, 128], strides = [1, 1]} : vector<16x65536xf32> to vector<16x128xf32>
    %slice3A_147 = vector.extract_strided_slice %concatenate3A {offsets = [0, 9600], sizes = [16, 128], strides = [1, 1]} : vector<16x65536xf32> to vector<16x128xf32>
    %slice3A_148 = vector.extract_strided_slice %concatenate3A {offsets = [0, 17792], sizes = [16, 128], strides = [1, 1]} : vector<16x65536xf32> to vector<16x128xf32>
    %slice3A_149 = vector.extract_strided_slice %concatenate3A {offsets = [0, 25984], sizes = [16, 128], strides = [1, 1]} : vector<16x65536xf32> to vector<16x128xf32>
    %slice3A_150 = vector.extract_strided_slice %concatenate3A {offsets = [0, 34176], sizes = [16, 128], strides = [1, 1]} : vector<16x65536xf32> to vector<16x128xf32>
    %slice3A_151 = vector.extract_strided_slice %concatenate3A {offsets = [0, 42368], sizes = [16, 128], strides = [1, 1]} : vector<16x65536xf32> to vector<16x128xf32>
    %slice3A_152 = vector.extract_strided_slice %concatenate3A {offsets = [0, 50560], sizes = [16, 128], strides = [1, 1]} : vector<16x65536xf32> to vector<16x128xf32>
    %slice3A_153 = vector.extract_strided_slice %concatenate3A {offsets = [0, 58752], sizes = [16, 128], strides = [1, 1]} : vector<16x65536xf32> to vector<16x128xf32>
    %concatenate3A_154 = tpu.concatenate %slice3A_146, %slice3A_147, %slice3A_148, %slice3A_149, %slice3A_150, %slice3A_151, %slice3A_152, %slice3A_153 in 0 : vector<16x128xf32>, vector<16x128xf32>, vector<16x128xf32>, vector<16x128xf32>, vector<16x128xf32>, vector<16x128xf32>, vector<16x128xf32>, vector<16x128xf32> -> vector<128x128xf32>
    %transpose3A_155 = tpu.transpose %concatenate3A_154, [1, 0] : vector<128x128xf32> -> vector<128x128xf32>
    %swap3A_156 = arith.constant 1408 : index
    %swap3A_157 = arith.constant 0 : index
    %swap3A_158 = vector.load %arg3[%swap3A_156, %swap3A_157] : memref<8192x128xf32, #tpu.memory_space<vmem>>, vector<128x128xf32>
    tpu.vector_store %arg3[%swap3A_156, %swap3A_157], %transpose3A_155 {strides = array<i32>} : memref<8192x128xf32, #tpu.memory_space<vmem>>, vector<128x128xf32>,
    %slice3A_159 = vector.extract_strided_slice %concatenate3A {offsets = [0, 1536], sizes = [16, 128], strides = [1, 1]} : vector<16x65536xf32> to vector<16x128xf32>
    %slice3A_160 = vector.extract_strided_slice %concatenate3A {offsets = [0, 9728], sizes = [16, 128], strides = [1, 1]} : vector<16x65536xf32> to vector<16x128xf32>
    %slice3A_161 = vector.extract_strided_slice %concatenate3A {offsets = [0, 17920], sizes = [16, 128], strides = [1, 1]} : vector<16x65536xf32> to vector<16x128xf32>
    %slice3A_162 = vector.extract_strided_slice %concatenate3A {offsets = [0, 26112], sizes = [16, 128], strides = [1, 1]} : vector<16x65536xf32> to vector<16x128xf32>
    %slice3A_163 = vector.extract_strided_slice %concatenate3A {offsets = [0, 34304], sizes = [16, 128], strides = [1, 1]} : vector<16x65536xf32> to vector<16x128xf32>
    %slice3A_164 = vector.extract_strided_slice %concatenate3A {offsets = [0, 42496], sizes = [16, 128], strides = [1, 1]} : vector<16x65536xf32> to vector<16x128xf32>
    %slice3A_165 = vector.extract_strided_slice %concatenate3A {offsets = [0, 50688], sizes = [16, 128], strides = [1, 1]} : vector<16x65536xf32> to vector<16x128xf32>
    %slice3A_166 = vector.extract_strided_slice %concatenate3A {offsets = [0, 58880], sizes = [16, 128], strides = [1, 1]} : vector<16x65536xf32> to vector<16x128xf32>
    %concatenate3A_167 = tpu.concatenate %slice3A_159, %slice3A_160, %slice3A_161, %slice3A_162, %slice3A_163, %slice3A_164, %slice3A_165, %slice3A_166 in 0 : vector<16x128xf32>, vector<16x128xf32>, vector<16x128xf32>, vector<16x128xf32>, vector<16x128xf32>, vector<16x128xf32>, vector<16x128xf32>, vector<16x128xf32> -> vector<128x128xf32>
    %transpose3A_168 = tpu.transpose %concatenate3A_167, [1, 0] : vector<128x128xf32> -> vector<128x128xf32>
    %swap3A_169 = arith.constant 1536 : index
    %swap3A_170 = arith.constant 0 : index
    %swap3A_171 = vector.load %arg3[%swap3A_169, %swap3A_170] : memref<8192x128xf32, #tpu.memory_space<vmem>>, vector<128x128xf32>
    tpu.vector_store %arg3[%swap3A_169, %swap3A_170], %transpose3A_168 {strides = array<i32>} : memref<8192x128xf32, #tpu.memory_space<vmem>>, vector<128x128xf32>,
    %slice3A_172 = vector.extract_strided_slice %concatenate3A {offsets = [0, 1664], sizes = [16, 128], strides = [1, 1]} : vector<16x65536xf32> to vector<16x128xf32>
    %slice3A_173 = vector.extract_strided_slice %concatenate3A {offsets = [0, 9856], sizes = [16, 128], strides = [1, 1]} : vector<16x65536xf32> to vector<16x128xf32>
    %slice3A_174 = vector.extract_strided_slice %concatenate3A {offsets = [0, 18048], sizes = [16, 128], strides = [1, 1]} : vector<16x65536xf32> to vector<16x128xf32>
    %slice3A_175 = vector.extract_strided_slice %concatenate3A {offsets = [0, 26240], sizes = [16, 128], strides = [1, 1]} : vector<16x65536xf32> to vector<16x128xf32>
    %slice3A_176 = vector.extract_strided_slice %concatenate3A {offsets = [0, 34432], sizes = [16, 128], strides = [1, 1]} : vector<16x65536xf32> to vector<16x128xf32>
    %slice3A_177 = vector.extract_strided_slice %concatenate3A {offsets = [0, 42624], sizes = [16, 128], strides = [1, 1]} : vector<16x65536xf32> to vector<16x128xf32>
    %slice3A_178 = vector.extract_strided_slice %concatenate3A {offsets = [0, 50816], sizes = [16, 128], strides = [1, 1]} : vector<16x65536xf32> to vector<16x128xf32>
    %slice3A_179 = vector.extract_strided_slice %concatenate3A {offsets = [0, 59008], sizes = [16, 128], strides = [1, 1]} : vector<16x65536xf32> to vector<16x128xf32>
    %concatenate3A_180 = tpu.concatenate %slice3A_172, %slice3A_173, %slice3A_174, %slice3A_175, %slice3A_176, %slice3A_177, %slice3A_178, %slice3A_179 in 0 : vector<16x128xf32>, vector<16x128xf32>, vector<16x128xf32>, vector<16x128xf32>, vector<16x128xf32>, vector<16x128xf32>, vector<16x128xf32>, vector<16x128xf32> -> vector<128x128xf32>
    %transpose3A_181 = tpu.transpose %concatenate3A_180, [1, 0] : vector<128x128xf32> -> vector<128x128xf32>
    %swap3A_182 = arith.constant 1664 : index
    %swap3A_183 = arith.constant 0 : index
    %swap3A_184 = vector.load %arg3[%swap3A_182, %swap3A_183] : memref<8192x128xf32, #tpu.memory_space<vmem>>, vector<128x128xf32>
    tpu.vector_store %arg3[%swap3A_182, %swap3A_183], %transpose3A_181 {strides = array<i32>} : memref<8192x128xf32, #tpu.memory_space<vmem>>, vector<128x128xf32>,
    %slice3A_185 = vector.extract_strided_slice %concatenate3A {offsets = [0, 1792], sizes = [16, 128], strides = [1, 1]} : vector<16x65536xf32> to vector<16x128xf32>
    %slice3A_186 = vector.extract_strided_slice %concatenate3A {offsets = [0, 9984], sizes = [16, 128], strides = [1, 1]} : vector<16x65536xf32> to vector<16x128xf32>
    %slice3A_187 = vector.extract_strided_slice %concatenate3A {offsets = [0, 18176], sizes = [16, 128], strides = [1, 1]} : vector<16x65536xf32> to vector<16x128xf32>
    %slice3A_188 = vector.extract_strided_slice %concatenate3A {offsets = [0, 26368], sizes = [16, 128], strides = [1, 1]} : vector<16x65536xf32> to vector<16x128xf32>
    %slice3A_189 = vector.extract_strided_slice %concatenate3A {offsets = [0, 34560], sizes = [16, 128], strides = [1, 1]} : vector<16x65536xf32> to vector<16x128xf32>
    %slice3A_190 = vector.extract_strided_slice %concatenate3A {offsets = [0, 42752], sizes = [16, 128], strides = [1, 1]} : vector<16x65536xf32> to vector<16x128xf32>
    %slice3A_191 = vector.extract_strided_slice %concatenate3A {offsets = [0, 50944], sizes = [16, 128], strides = [1, 1]} : vector<16x65536xf32> to vector<16x128xf32>
    %slice3A_192 = vector.extract_strided_slice %concatenate3A {offsets = [0, 59136], sizes = [16, 128], strides = [1, 1]} : vector<16x65536xf32> to vector<16x128xf32>
    %concatenate3A_193 = tpu.concatenate %slice3A_185, %slice3A_186, %slice3A_187, %slice3A_188, %slice3A_189, %slice3A_190, %slice3A_191, %slice3A_192 in 0 : vector<16x128xf32>, vector<16x128xf32>, vector<16x128xf32>, vector<16x128xf32>, vector<16x128xf32>, vector<16x128xf32>, vector<16x128xf32>, vector<16x128xf32> -> vector<128x128xf32>
    %transpose3A_194 = tpu.transpose %concatenate3A_193, [1, 0] : vector<128x128xf32> -> vector<128x128xf32>
    %swap3A_195 = arith.constant 1792 : index
    %swap3A_196 = arith.constant 0 : index
    %swap3A_197 = vector.load %arg3[%swap3A_195, %swap3A_196] : memref<8192x128xf32, #tpu.memory_space<vmem>>, vector<128x128xf32>
    tpu.vector_store %arg3[%swap3A_195, %swap3A_196], %transpose3A_194 {strides = array<i32>} : memref<8192x128xf32, #tpu.memory_space<vmem>>, vector<128x128xf32>,
    %slice3A_198 = vector.extract_strided_slice %concatenate3A {offsets = [0, 1920], sizes = [16, 128], strides = [1, 1]} : vector<16x65536xf32> to vector<16x128xf32>
    %slice3A_199 = vector.extract_strided_slice %concatenate3A {offsets = [0, 10112], sizes = [16, 128], strides = [1, 1]} : vector<16x65536xf32> to vector<16x128xf32>
    %slice3A_200 = vector.extract_strided_slice %concatenate3A {offsets = [0, 18304], sizes = [16, 128], strides = [1, 1]} : vector<16x65536xf32> to vector<16x128xf32>
    %slice3A_201 = vector.extract_strided_slice %concatenate3A {offsets = [0, 26496], sizes = [16, 128], strides = [1, 1]} : vector<16x65536xf32> to vector<16x128xf32>
    %slice3A_202 = vector.extract_strided_slice %concatenate3A {offsets = [0, 34688], sizes = [16, 128], strides = [1, 1]} : vector<16x65536xf32> to vector<16x128xf32>
    %slice3A_203 = vector.extract_strided_slice %concatenate3A {offsets = [0, 42880], sizes = [16, 128], strides = [1, 1]} : vector<16x65536xf32> to vector<16x128xf32>
    %slice3A_204 = vector.extract_strided_slice %concatenate3A {offsets = [0, 51072], sizes = [16, 128], strides = [1, 1]} : vector<16x65536xf32> to vector<16x128xf32>
    %slice3A_205 = vector.extract_strided_slice %concatenate3A {offsets = [0, 59264], sizes = [16, 128], strides = [1, 1]} : vector<16x65536xf32> to vector<16x128xf32>
    %concatenate3A_206 = tpu.concatenate %slice3A_198, %slice3A_199, %slice3A_200, %slice3A_201, %slice3A_202, %slice3A_203, %slice3A_204, %slice3A_205 in 0 : vector<16x128xf32>, vector<16x128xf32>, vector<16x128xf32>, vector<16x128xf32>, vector<16x128xf32>, vector<16x128xf32>, vector<16x128xf32>, vector<16x128xf32> -> vector<128x128xf32>
    %transpose3A_207 = tpu.transpose %concatenate3A_206, [1, 0] : vector<128x128xf32> -> vector<128x128xf32>
    %swap3A_208 = arith.constant 1920 : index
    %swap3A_209 = arith.constant 0 : index
    %swap3A_210 = vector.load %arg3[%swap3A_208, %swap3A_209] : memref<8192x128xf32, #tpu.memory_space<vmem>>, vector<128x128xf32>
    tpu.vector_store %arg3[%swap3A_208, %swap3A_209], %transpose3A_207 {strides = array<i32>} : memref<8192x128xf32, #tpu.memory_space<vmem>>, vector<128x128xf32>,
    %slice3A_211 = vector.extract_strided_slice %concatenate3A {offsets = [0, 2048], sizes = [16, 128], strides = [1, 1]} : vector<16x65536xf32> to vector<16x128xf32>
    %slice3A_212 = vector.extract_strided_slice %concatenate3A {offsets = [0, 10240], sizes = [16, 128], strides = [1, 1]} : vector<16x65536xf32> to vector<16x128xf32>
    %slice3A_213 = vector.extract_strided_slice %concatenate3A {offsets = [0, 18432], sizes = [16, 128], strides = [1, 1]} : vector<16x65536xf32> to vector<16x128xf32>
    %slice3A_214 = vector.extract_strided_slice %concatenate3A {offsets = [0, 26624], sizes = [16, 128], strides = [1, 1]} : vector<16x65536xf32> to vector<16x128xf32>
    %slice3A_215 = vector.extract_strided_slice %concatenate3A {offsets = [0, 34816], sizes = [16, 128], strides = [1, 1]} : vector<16x65536xf32> to vector<16x128xf32>
    %slice3A_216 = vector.extract_strided_slice %concatenate3A {offsets = [0, 43008], sizes = [16, 128], strides = [1, 1]} : vector<16x65536xf32> to vector<16x128xf32>
    %slice3A_217 = vector.extract_strided_slice %concatenate3A {offsets = [0, 51200], sizes = [16, 128], strides = [1, 1]} : vector<16x65536xf32> to vector<16x128xf32>
    %slice3A_218 = vector.extract_strided_slice %concatenate3A {offsets = [0, 59392], sizes = [16, 128], strides = [1, 1]} : vector<16x65536xf32> to vector<16x128xf32>
    %concatenate3A_219 = tpu.concatenate %slice3A_211, %slice3A_212, %slice3A_213, %slice3A_214, %slice3A_215, %slice3A_216, %slice3A_217, %slice3A_218 in 0 : vector<16x128xf32>, vector<16x128xf32>, vector<16x128xf32>, vector<16x128xf32>, vector<16x128xf32>, vector<16x128xf32>, vector<16x128xf32>, vector<16x128xf32> -> vector<128x128xf32>
    %transpose3A_220 = tpu.transpose %concatenate3A_219, [1, 0] : vector<128x128xf32> -> vector<128x128xf32>
    %swap3A_221 = arith.constant 2048 : index
    %swap3A_222 = arith.constant 0 : index
    %swap3A_223 = vector.load %arg3[%swap3A_221, %swap3A_222] : memref<8192x128xf32, #tpu.memory_space<vmem>>, vector<128x128xf32>
    tpu.vector_store %arg3[%swap3A_221, %swap3A_222], %transpose3A_220 {strides = array<i32>} : memref<8192x128xf32, #tpu.memory_space<vmem>>, vector<128x128xf32>,
    %slice3A_224 = vector.extract_strided_slice %concatenate3A {offsets = [0, 2176], sizes = [16, 128], strides = [1, 1]} : vector<16x65536xf32> to vector<16x128xf32>
    %slice3A_225 = vector.extract_strided_slice %concatenate3A {offsets = [0, 10368], sizes = [16, 128], strides = [1, 1]} : vector<16x65536xf32> to vector<16x128xf32>
    %slice3A_226 = vector.extract_strided_slice %concatenate3A {offsets = [0, 18560], sizes = [16, 128], strides = [1, 1]} : vector<16x65536xf32> to vector<16x128xf32>
    %slice3A_227 = vector.extract_strided_slice %concatenate3A {offsets = [0, 26752], sizes = [16, 128], strides = [1, 1]} : vector<16x65536xf32> to vector<16x128xf32>
    %slice3A_228 = vector.extract_strided_slice %concatenate3A {offsets = [0, 34944], sizes = [16, 128], strides = [1, 1]} : vector<16x65536xf32> to vector<16x128xf32>
    %slice3A_229 = vector.extract_strided_slice %concatenate3A {offsets = [0, 43136], sizes = [16, 128], strides = [1, 1]} : vector<16x65536xf32> to vector<16x128xf32>
    %slice3A_230 = vector.extract_strided_slice %concatenate3A {offsets = [0, 51328], sizes = [16, 128], strides = [1, 1]} : vector<16x65536xf32> to vector<16x128xf32>
    %slice3A_231 = vector.extract_strided_slice %concatenate3A {offsets = [0, 59520], sizes = [16, 128], strides = [1, 1]} : vector<16x65536xf32> to vector<16x128xf32>
    %concatenate3A_232 = tpu.concatenate %slice3A_224, %slice3A_225, %slice3A_226, %slice3A_227, %slice3A_228, %slice3A_229, %slice3A_230, %slice3A_231 in 0 : vector<16x128xf32>, vector<16x128xf32>, vector<16x128xf32>, vector<16x128xf32>, vector<16x128xf32>, vector<16x128xf32>, vector<16x128xf32>, vector<16x128xf32> -> vector<128x128xf32>
    %transpose3A_233 = tpu.transpose %concatenate3A_232, [1, 0] : vector<128x128xf32> -> vector<128x128xf32>
    %swap3A_234 = arith.constant 2176 : index
    %swap3A_235 = arith.constant 0 : index
    %swap3A_236 = vector.load %arg3[%swap3A_234, %swap3A_235] : memref<8192x128xf32, #tpu.memory_space<vmem>>, vector<128x128xf32>
    tpu.vector_store %arg3[%swap3A_234, %swap3A_235], %transpose3A_233 {strides = array<i32>} : memref<8192x128xf32, #tpu.memory_space<vmem>>, vector<128x128xf32>,
    %slice3A_237 = vector.extract_strided_slice %concatenate3A {offsets = [0, 2304], sizes = [16, 128], strides = [1, 1]} : vector<16x65536xf32> to vector<16x128xf32>
    %slice3A_238 = vector.extract_strided_slice %concatenate3A {offsets = [0, 10496], sizes = [16, 128], strides = [1, 1]} : vector<16x65536xf32> to vector<16x128xf32>
    %slice3A_239 = vector.extract_strided_slice %concatenate3A {offsets = [0, 18688], sizes = [16, 128], strides = [1, 1]} : vector<16x65536xf32> to vector<16x128xf32>
    %slice3A_240 = vector.extract_strided_slice %concatenate3A {offsets = [0, 26880], sizes = [16, 128], strides = [1, 1]} : vector<16x65536xf32> to vector<16x128xf32>
    %slice3A_241 = vector.extract_strided_slice %concatenate3A {offsets = [0, 35072], sizes = [16, 128], strides = [1, 1]} : vector<16x65536xf32> to vector<16x128xf32>
    %slice3A_242 = vector.extract_strided_slice %concatenate3A {offsets = [0, 43264], sizes = [16, 128], strides = [1, 1]} : vector<16x65536xf32> to vector<16x128xf32>
    %slice3A_243 = vector.extract_strided_slice %concatenate3A {offsets = [0, 51456], sizes = [16, 128], strides = [1, 1]} : vector<16x65536xf32> to vector<16x128xf32>
    %slice3A_244 = vector.extract_strided_slice %concatenate3A {offsets = [0, 59648], sizes = [16, 128], strides = [1, 1]} : vector<16x65536xf32> to vector<16x128xf32>
    %concatenate3A_245 = tpu.concatenate %slice3A_237, %slice3A_238, %slice3A_239, %slice3A_240, %slice3A_241, %slice3A_242, %slice3A_243, %slice3A_244 in 0 : vector<16x128xf32>, vector<16x128xf32>, vector<16x128xf32>, vector<16x128xf32>, vector<16x128xf32>, vector<16x128xf32>, vector<16x128xf32>, vector<16x128xf32> -> vector<128x128xf32>
    %transpose3A_246 = tpu.transpose %concatenate3A_245, [1, 0] : vector<128x128xf32> -> vector<128x128xf32>
    %swap3A_247 = arith.constant 2304 : index
    %swap3A_248 = arith.constant 0 : index
    %swap3A_249 = vector.load %arg3[%swap3A_247, %swap3A_248] : memref<8192x128xf32, #tpu.memory_space<vmem>>, vector<128x128xf32>
    tpu.vector_store %arg3[%swap3A_247, %swap3A_248], %transpose3A_246 {strides = array<i32>} : memref<8192x128xf32, #tpu.memory_space<vmem>>, vector<128x128xf32>,
    %slice3A_250 = vector.extract_strided_slice %concatenate3A {offsets = [0, 2432], sizes = [16, 128], strides = [1, 1]} : vector<16x65536xf32> to vector<16x128xf32>
    %slice3A_251 = vector.extract_strided_slice %concatenate3A {offsets = [0, 10624], sizes = [16, 128], strides = [1, 1]} : vector<16x65536xf32> to vector<16x128xf32>
    %slice3A_252 = vector.extract_strided_slice %concatenate3A {offsets = [0, 18816], sizes = [16, 128], strides = [1, 1]} : vector<16x65536xf32> to vector<16x128xf32>
    %slice3A_253 = vector.extract_strided_slice %concatenate3A {offsets = [0, 27008], sizes = [16, 128], strides = [1, 1]} : vector<16x65536xf32> to vector<16x128xf32>
    %slice3A_254 = vector.extract_strided_slice %concatenate3A {offsets = [0, 35200], sizes = [16, 128], strides = [1, 1]} : vector<16x65536xf32> to vector<16x128xf32>
    %slice3A_255 = vector.extract_strided_slice %concatenate3A {offsets = [0, 43392], sizes = [16, 128], strides = [1, 1]} : vector<16x65536xf32> to vector<16x128xf32>
    %slice3A_256 = vector.extract_strided_slice %concatenate3A {offsets = [0, 51584], sizes = [16, 128], strides = [1, 1]} : vector<16x65536xf32> to vector<16x128xf32>
    %slice3A_257 = vector.extract_strided_slice %concatenate3A {offsets = [0, 59776], sizes = [16, 128], strides = [1, 1]} : vector<16x65536xf32> to vector<16x128xf32>
    %concatenate3A_258 = tpu.concatenate %slice3A_250, %slice3A_251, %slice3A_252, %slice3A_253, %slice3A_254, %slice3A_255, %slice3A_256, %slice3A_257 in 0 : vector<16x128xf32>, vector<16x128xf32>, vector<16x128xf32>, vector<16x128xf32>, vector<16x128xf32>, vector<16x128xf32>, vector<16x128xf32>, vector<16x128xf32> -> vector<128x128xf32>
    %transpose3A_259 = tpu.transpose %concatenate3A_258, [1, 0] : vector<128x128xf32> -> vector<128x128xf32>
    %swap3A_260 = arith.constant 2432 : index
    %swap3A_261 = arith.constant 0 : index
    %swap3A_262 = vector.load %arg3[%swap3A_260, %swap3A_261] : memref<8192x128xf32, #tpu.memory_space<vmem>>, vector<128x128xf32>
    tpu.vector_store %arg3[%swap3A_260, %swap3A_261], %transpose3A_259 {strides = array<i32>} : memref<8192x128xf32, #tpu.memory_space<vmem>>, vector<128x128xf32>,
    %slice3A_263 = vector.extract_strided_slice %concatenate3A {offsets = [0, 2560], sizes = [16, 128], strides = [1, 1]} : vector<16x65536xf32> to vector<16x128xf32>
    %slice3A_264 = vector.extract_strided_slice %concatenate3A {offsets = [0, 10752], sizes = [16, 128], strides = [1, 1]} : vector<16x65536xf32> to vector<16x128xf32>
    %slice3A_265 = vector.extract_strided_slice %concatenate3A {offsets = [0, 18944], sizes = [16, 128], strides = [1, 1]} : vector<16x65536xf32> to vector<16x128xf32>
    %slice3A_266 = vector.extract_strided_slice %concatenate3A {offsets = [0, 27136], sizes = [16, 128], strides = [1, 1]} : vector<16x65536xf32> to vector<16x128xf32>
    %slice3A_267 = vector.extract_strided_slice %concatenate3A {offsets = [0, 35328], sizes = [16, 128], strides = [1, 1]} : vector<16x65536xf32> to vector<16x128xf32>
    %slice3A_268 = vector.extract_strided_slice %concatenate3A {offsets = [0, 43520], sizes = [16, 128], strides = [1, 1]} : vector<16x65536xf32> to vector<16x128xf32>
    %slice3A_269 = vector.extract_strided_slice %concatenate3A {offsets = [0, 51712], sizes = [16, 128], strides = [1, 1]} : vector<16x65536xf32> to vector<16x128xf32>
    %slice3A_270 = vector.extract_strided_slice %concatenate3A {offsets = [0, 59904], sizes = [16, 128], strides = [1, 1]} : vector<16x65536xf32> to vector<16x128xf32>
    %concatenate3A_271 = tpu.concatenate %slice3A_263, %slice3A_264, %slice3A_265, %slice3A_266, %slice3A_267, %slice3A_268, %slice3A_269, %slice3A_270 in 0 : vector<16x128xf32>, vector<16x128xf32>, vector<16x128xf32>, vector<16x128xf32>, vector<16x128xf32>, vector<16x128xf32>, vector<16x128xf32>, vector<16x128xf32> -> vector<128x128xf32>
    %transpose3A_272 = tpu.transpose %concatenate3A_271, [1, 0] : vector<128x128xf32> -> vector<128x128xf32>
    %swap3A_273 = arith.constant 2560 : index
    %swap3A_274 = arith.constant 0 : index
    %swap3A_275 = vector.load %arg3[%swap3A_273, %swap3A_274] : memref<8192x128xf32, #tpu.memory_space<vmem>>, vector<128x128xf32>
    tpu.vector_store %arg3[%swap3A_273, %swap3A_274], %transpose3A_272 {strides = array<i32>} : memref<8192x128xf32, #tpu.memory_space<vmem>>, vector<128x128xf32>,
    %slice3A_276 = vector.extract_strided_slice %concatenate3A {offsets = [0, 2688], sizes = [16, 128], strides = [1, 1]} : vector<16x65536xf32> to vector<16x128xf32>
    %slice3A_277 = vector.extract_strided_slice %concatenate3A {offsets = [0, 10880], sizes = [16, 128], strides = [1, 1]} : vector<16x65536xf32> to vector<16x128xf32>
    %slice3A_278 = vector.extract_strided_slice %concatenate3A {offsets = [0, 19072], sizes = [16, 128], strides = [1, 1]} : vector<16x65536xf32> to vector<16x128xf32>
    %slice3A_279 = vector.extract_strided_slice %concatenate3A {offsets = [0, 27264], sizes = [16, 128], strides = [1, 1]} : vector<16x65536xf32> to vector<16x128xf32>
    %slice3A_280 = vector.extract_strided_slice %concatenate3A {offsets = [0, 35456], sizes = [16, 128], strides = [1, 1]} : vector<16x65536xf32> to vector<16x128xf32>
    %slice3A_281 = vector.extract_strided_slice %concatenate3A {offsets = [0, 43648], sizes = [16, 128], strides = [1, 1]} : vector<16x65536xf32> to vector<16x128xf32>
    %slice3A_282 = vector.extract_strided_slice %concatenate3A {offsets = [0, 51840], sizes = [16, 128], strides = [1, 1]} : vector<16x65536xf32> to vector<16x128xf32>
    %slice3A_283 = vector.extract_strided_slice %concatenate3A {offsets = [0, 60032], sizes = [16, 128], strides = [1, 1]} : vector<16x65536xf32> to vector<16x128xf32>
    %concatenate3A_284 = tpu.concatenate %slice3A_276, %slice3A_277, %slice3A_278, %slice3A_279, %slice3A_280, %slice3A_281, %slice3A_282, %slice3A_283 in 0 : vector<16x128xf32>, vector<16x128xf32>, vector<16x128xf32>, vector<16x128xf32>, vector<16x128xf32>, vector<16x128xf32>, vector<16x128xf32>, vector<16x128xf32> -> vector<128x128xf32>
    %transpose3A_285 = tpu.transpose %concatenate3A_284, [1, 0] : vector<128x128xf32> -> vector<128x128xf32>
    %swap3A_286 = arith.constant 2688 : index
    %swap3A_287 = arith.constant 0 : index
    %swap3A_288 = vector.load %arg3[%swap3A_286, %swap3A_287] : memref<8192x128xf32, #tpu.memory_space<vmem>>, vector<128x128xf32>
    tpu.vector_store %arg3[%swap3A_286, %swap3A_287], %transpose3A_285 {strides = array<i32>} : memref<8192x128xf32, #tpu.memory_space<vmem>>, vector<128x128xf32>,
    %slice3A_289 = vector.extract_strided_slice %concatenate3A {offsets = [0, 2816], sizes = [16, 128], strides = [1, 1]} : vector<16x65536xf32> to vector<16x128xf32>
    %slice3A_290 = vector.extract_strided_slice %concatenate3A {offsets = [0, 11008], sizes = [16, 128], strides = [1, 1]} : vector<16x65536xf32> to vector<16x128xf32>
    %slice3A_291 = vector.extract_strided_slice %concatenate3A {offsets = [0, 19200], sizes = [16, 128], strides = [1, 1]} : vector<16x65536xf32> to vector<16x128xf32>
    %slice3A_292 = vector.extract_strided_slice %concatenate3A {offsets = [0, 27392], sizes = [16, 128], strides = [1, 1]} : vector<16x65536xf32> to vector<16x128xf32>
    %slice3A_293 = vector.extract_strided_slice %concatenate3A {offsets = [0, 35584], sizes = [16, 128], strides = [1, 1]} : vector<16x65536xf32> to vector<16x128xf32>
    %slice3A_294 = vector.extract_strided_slice %concatenate3A {offsets = [0, 43776], sizes = [16, 128], strides = [1, 1]} : vector<16x65536xf32> to vector<16x128xf32>
    %slice3A_295 = vector.extract_strided_slice %concatenate3A {offsets = [0, 51968], sizes = [16, 128], strides = [1, 1]} : vector<16x65536xf32> to vector<16x128xf32>
    %slice3A_296 = vector.extract_strided_slice %concatenate3A {offsets = [0, 60160], sizes = [16, 128], strides = [1, 1]} : vector<16x65536xf32> to vector<16x128xf32>
    %concatenate3A_297 = tpu.concatenate %slice3A_289, %slice3A_290, %slice3A_291, %slice3A_292, %slice3A_293, %slice3A_294, %slice3A_295, %slice3A_296 in 0 : vector<16x128xf32>, vector<16x128xf32>, vector<16x128xf32>, vector<16x128xf32>, vector<16x128xf32>, vector<16x128xf32>, vector<16x128xf32>, vector<16x128xf32> -> vector<128x128xf32>
    %transpose3A_298 = tpu.transpose %concatenate3A_297, [1, 0] : vector<128x128xf32> -> vector<128x128xf32>
    %swap3A_299 = arith.constant 2816 : index
    %swap3A_300 = arith.constant 0 : index
    %swap3A_301 = vector.load %arg3[%swap3A_299, %swap3A_300] : memref<8192x128xf32, #tpu.memory_space<vmem>>, vector<128x128xf32>
    tpu.vector_store %arg3[%swap3A_299, %swap3A_300], %transpose3A_298 {strides = array<i32>} : memref<8192x128xf32, #tpu.memory_space<vmem>>, vector<128x128xf32>,
    %slice3A_302 = vector.extract_strided_slice %concatenate3A {offsets = [0, 2944], sizes = [16, 128], strides = [1, 1]} : vector<16x65536xf32> to vector<16x128xf32>
    %slice3A_303 = vector.extract_strided_slice %concatenate3A {offsets = [0, 11136], sizes = [16, 128], strides = [1, 1]} : vector<16x65536xf32> to vector<16x128xf32>
    %slice3A_304 = vector.extract_strided_slice %concatenate3A {offsets = [0, 19328], sizes = [16, 128], strides = [1, 1]} : vector<16x65536xf32> to vector<16x128xf32>
    %slice3A_305 = vector.extract_strided_slice %concatenate3A {offsets = [0, 27520], sizes = [16, 128], strides = [1, 1]} : vector<16x65536xf32> to vector<16x128xf32>
    %slice3A_306 = vector.extract_strided_slice %concatenate3A {offsets = [0, 35712], sizes = [16, 128], strides = [1, 1]} : vector<16x65536xf32> to vector<16x128xf32>
    %slice3A_307 = vector.extract_strided_slice %concatenate3A {offsets = [0, 43904], sizes = [16, 128], strides = [1, 1]} : vector<16x65536xf32> to vector<16x128xf32>
    %slice3A_308 = vector.extract_strided_slice %concatenate3A {offsets = [0, 52096], sizes = [16, 128], strides = [1, 1]} : vector<16x65536xf32> to vector<16x128xf32>
    %slice3A_309 = vector.extract_strided_slice %concatenate3A {offsets = [0, 60288], sizes = [16, 128], strides = [1, 1]} : vector<16x65536xf32> to vector<16x128xf32>
    %concatenate3A_310 = tpu.concatenate %slice3A_302, %slice3A_303, %slice3A_304, %slice3A_305, %slice3A_306, %slice3A_307, %slice3A_308, %slice3A_309 in 0 : vector<16x128xf32>, vector<16x128xf32>, vector<16x128xf32>, vector<16x128xf32>, vector<16x128xf32>, vector<16x128xf32>, vector<16x128xf32>, vector<16x128xf32> -> vector<128x128xf32>
    %transpose3A_311 = tpu.transpose %concatenate3A_310, [1, 0] : vector<128x128xf32> -> vector<128x128xf32>
    %swap3A_312 = arith.constant 2944 : index
    %swap3A_313 = arith.constant 0 : index
    %swap3A_314 = vector.load %arg3[%swap3A_312, %swap3A_313] : memref<8192x128xf32, #tpu.memory_space<vmem>>, vector<128x128xf32>
    tpu.vector_store %arg3[%swap3A_312, %swap3A_313], %transpose3A_311 {strides = array<i32>} : memref<8192x128xf32, #tpu.memory_space<vmem>>, vector<128x128xf32>,
    %slice3A_315 = vector.extract_strided_slice %concatenate3A {offsets = [0, 3072], sizes = [16, 128], strides = [1, 1]} : vector<16x65536xf32> to vector<16x128xf32>
    %slice3A_316 = vector.extract_strided_slice %concatenate3A {offsets = [0, 11264], sizes = [16, 128], strides = [1, 1]} : vector<16x65536xf32> to vector<16x128xf32>
    %slice3A_317 = vector.extract_strided_slice %concatenate3A {offsets = [0, 19456], sizes = [16, 128], strides = [1, 1]} : vector<16x65536xf32> to vector<16x128xf32>
    %slice3A_318 = vector.extract_strided_slice %concatenate3A {offsets = [0, 27648], sizes = [16, 128], strides = [1, 1]} : vector<16x65536xf32> to vector<16x128xf32>
    %slice3A_319 = vector.extract_strided_slice %concatenate3A {offsets = [0, 35840], sizes = [16, 128], strides = [1, 1]} : vector<16x65536xf32> to vector<16x128xf32>
    %slice3A_320 = vector.extract_strided_slice %concatenate3A {offsets = [0, 44032], sizes = [16, 128], strides = [1, 1]} : vector<16x65536xf32> to vector<16x128xf32>
    %slice3A_321 = vector.extract_strided_slice %concatenate3A {offsets = [0, 52224], sizes = [16, 128], strides = [1, 1]} : vector<16x65536xf32> to vector<16x128xf32>
    %slice3A_322 = vector.extract_strided_slice %concatenate3A {offsets = [0, 60416], sizes = [16, 128], strides = [1, 1]} : vector<16x65536xf32> to vector<16x128xf32>
    %concatenate3A_323 = tpu.concatenate %slice3A_315, %slice3A_316, %slice3A_317, %slice3A_318, %slice3A_319, %slice3A_320, %slice3A_321, %slice3A_322 in 0 : vector<16x128xf32>, vector<16x128xf32>, vector<16x128xf32>, vector<16x128xf32>, vector<16x128xf32>, vector<16x128xf32>, vector<16x128xf32>, vector<16x128xf32> -> vector<128x128xf32>
    %transpose3A_324 = tpu.transpose %concatenate3A_323, [1, 0] : vector<128x128xf32> -> vector<128x128xf32>
    %swap3A_325 = arith.constant 3072 : index
    %swap3A_326 = arith.constant 0 : index
    %swap3A_327 = vector.load %arg3[%swap3A_325, %swap3A_326] : memref<8192x128xf32, #tpu.memory_space<vmem>>, vector<128x128xf32>
    tpu.vector_store %arg3[%swap3A_325, %swap3A_326], %transpose3A_324 {strides = array<i32>} : memref<8192x128xf32, #tpu.memory_space<vmem>>, vector<128x128xf32>,
    %slice3A_328 = vector.extract_strided_slice %concatenate3A {offsets = [0, 3200], sizes = [16, 128], strides = [1, 1]} : vector<16x65536xf32> to vector<16x128xf32>
    %slice3A_329 = vector.extract_strided_slice %concatenate3A {offsets = [0, 11392], sizes = [16, 128], strides = [1, 1]} : vector<16x65536xf32> to vector<16x128xf32>
    %slice3A_330 = vector.extract_strided_slice %concatenate3A {offsets = [0, 19584], sizes = [16, 128], strides = [1, 1]} : vector<16x65536xf32> to vector<16x128xf32>
    %slice3A_331 = vector.extract_strided_slice %concatenate3A {offsets = [0, 27776], sizes = [16, 128], strides = [1, 1]} : vector<16x65536xf32> to vector<16x128xf32>
    %slice3A_332 = vector.extract_strided_slice %concatenate3A {offsets = [0, 35968], sizes = [16, 128], strides = [1, 1]} : vector<16x65536xf32> to vector<16x128xf32>
    %slice3A_333 = vector.extract_strided_slice %concatenate3A {offsets = [0, 44160], sizes = [16, 128], strides = [1, 1]} : vector<16x65536xf32> to vector<16x128xf32>
    %slice3A_334 = vector.extract_strided_slice %concatenate3A {offsets = [0, 52352], sizes = [16, 128], strides = [1, 1]} : vector<16x65536xf32> to vector<16x128xf32>
    %slice3A_335 = vector.extract_strided_slice %concatenate3A {offsets = [0, 60544], sizes = [16, 128], strides = [1, 1]} : vector<16x65536xf32> to vector<16x128xf32>
    %concatenate3A_336 = tpu.concatenate %slice3A_328, %slice3A_329, %slice3A_330, %slice3A_331, %slice3A_332, %slice3A_333, %slice3A_334, %slice3A_335 in 0 : vector<16x128xf32>, vector<16x128xf32>, vector<16x128xf32>, vector<16x128xf32>, vector<16x128xf32>, vector<16x128xf32>, vector<16x128xf32>, vector<16x128xf32> -> vector<128x128xf32>
    %transpose3A_337 = tpu.transpose %concatenate3A_336, [1, 0] : vector<128x128xf32> -> vector<128x128xf32>
    %swap3A_338 = arith.constant 3200 : index
    %swap3A_339 = arith.constant 0 : index
    %swap3A_340 = vector.load %arg3[%swap3A_338, %swap3A_339] : memref<8192x128xf32, #tpu.memory_space<vmem>>, vector<128x128xf32>
    tpu.vector_store %arg3[%swap3A_338, %swap3A_339], %transpose3A_337 {strides = array<i32>} : memref<8192x128xf32, #tpu.memory_space<vmem>>, vector<128x128xf32>,
    %slice3A_341 = vector.extract_strided_slice %concatenate3A {offsets = [0, 3328], sizes = [16, 128], strides = [1, 1]} : vector<16x65536xf32> to vector<16x128xf32>
    %slice3A_342 = vector.extract_strided_slice %concatenate3A {offsets = [0, 11520], sizes = [16, 128], strides = [1, 1]} : vector<16x65536xf32> to vector<16x128xf32>
    %slice3A_343 = vector.extract_strided_slice %concatenate3A {offsets = [0, 19712], sizes = [16, 128], strides = [1, 1]} : vector<16x65536xf32> to vector<16x128xf32>
    %slice3A_344 = vector.extract_strided_slice %concatenate3A {offsets = [0, 27904], sizes = [16, 128], strides = [1, 1]} : vector<16x65536xf32> to vector<16x128xf32>
    %slice3A_345 = vector.extract_strided_slice %concatenate3A {offsets = [0, 36096], sizes = [16, 128], strides = [1, 1]} : vector<16x65536xf32> to vector<16x128xf32>
    %slice3A_346 = vector.extract_strided_slice %concatenate3A {offsets = [0, 44288], sizes = [16, 128], strides = [1, 1]} : vector<16x65536xf32> to vector<16x128xf32>
    %slice3A_347 = vector.extract_strided_slice %concatenate3A {offsets = [0, 52480], sizes = [16, 128], strides = [1, 1]} : vector<16x65536xf32> to vector<16x128xf32>
    %slice3A_348 = vector.extract_strided_slice %concatenate3A {offsets = [0, 60672], sizes = [16, 128], strides = [1, 1]} : vector<16x65536xf32> to vector<16x128xf32>
    %concatenate3A_349 = tpu.concatenate %slice3A_341, %slice3A_342, %slice3A_343, %slice3A_344, %slice3A_345, %slice3A_346, %slice3A_347, %slice3A_348 in 0 : vector<16x128xf32>, vector<16x128xf32>, vector<16x128xf32>, vector<16x128xf32>, vector<16x128xf32>, vector<16x128xf32>, vector<16x128xf32>, vector<16x128xf32> -> vector<128x128xf32>
    %transpose3A_350 = tpu.transpose %concatenate3A_349, [1, 0] : vector<128x128xf32> -> vector<128x128xf32>
    %swap3A_351 = arith.constant 3328 : index
    %swap3A_352 = arith.constant 0 : index
    %swap3A_353 = vector.load %arg3[%swap3A_351, %swap3A_352] : memref<8192x128xf32, #tpu.memory_space<vmem>>, vector<128x128xf32>
    tpu.vector_store %arg3[%swap3A_351, %swap3A_352], %transpose3A_350 {strides = array<i32>} : memref<8192x128xf32, #tpu.memory_space<vmem>>, vector<128x128xf32>,
    %slice3A_354 = vector.extract_strided_slice %concatenate3A {offsets = [0, 3456], sizes = [16, 128], strides = [1, 1]} : vector<16x65536xf32> to vector<16x128xf32>
    %slice3A_355 = vector.extract_strided_slice %concatenate3A {offsets = [0, 11648], sizes = [16, 128], strides = [1, 1]} : vector<16x65536xf32> to vector<16x128xf32>
    %slice3A_356 = vector.extract_strided_slice %concatenate3A {offsets = [0, 19840], sizes = [16, 128], strides = [1, 1]} : vector<16x65536xf32> to vector<16x128xf32>
    %slice3A_357 = vector.extract_strided_slice %concatenate3A {offsets = [0, 28032], sizes = [16, 128], strides = [1, 1]} : vector<16x65536xf32> to vector<16x128xf32>
    %slice3A_358 = vector.extract_strided_slice %concatenate3A {offsets = [0, 36224], sizes = [16, 128], strides = [1, 1]} : vector<16x65536xf32> to vector<16x128xf32>
    %slice3A_359 = vector.extract_strided_slice %concatenate3A {offsets = [0, 44416], sizes = [16, 128], strides = [1, 1]} : vector<16x65536xf32> to vector<16x128xf32>
    %slice3A_360 = vector.extract_strided_slice %concatenate3A {offsets = [0, 52608], sizes = [16, 128], strides = [1, 1]} : vector<16x65536xf32> to vector<16x128xf32>
    %slice3A_361 = vector.extract_strided_slice %concatenate3A {offsets = [0, 60800], sizes = [16, 128], strides = [1, 1]} : vector<16x65536xf32> to vector<16x128xf32>
    %concatenate3A_362 = tpu.concatenate %slice3A_354, %slice3A_355, %slice3A_356, %slice3A_357, %slice3A_358, %slice3A_359, %slice3A_360, %slice3A_361 in 0 : vector<16x128xf32>, vector<16x128xf32>, vector<16x128xf32>, vector<16x128xf32>, vector<16x128xf32>, vector<16x128xf32>, vector<16x128xf32>, vector<16x128xf32> -> vector<128x128xf32>
    %transpose3A_363 = tpu.transpose %concatenate3A_362, [1, 0] : vector<128x128xf32> -> vector<128x128xf32>
    %swap3A_364 = arith.constant 3456 : index
    %swap3A_365 = arith.constant 0 : index
    %swap3A_366 = vector.load %arg3[%swap3A_364, %swap3A_365] : memref<8192x128xf32, #tpu.memory_space<vmem>>, vector<128x128xf32>
    tpu.vector_store %arg3[%swap3A_364, %swap3A_365], %transpose3A_363 {strides = array<i32>} : memref<8192x128xf32, #tpu.memory_space<vmem>>, vector<128x128xf32>,
    %slice3A_367 = vector.extract_strided_slice %concatenate3A {offsets = [0, 3584], sizes = [16, 128], strides = [1, 1]} : vector<16x65536xf32> to vector<16x128xf32>
    %slice3A_368 = vector.extract_strided_slice %concatenate3A {offsets = [0, 11776], sizes = [16, 128], strides = [1, 1]} : vector<16x65536xf32> to vector<16x128xf32>
    %slice3A_369 = vector.extract_strided_slice %concatenate3A {offsets = [0, 19968], sizes = [16, 128], strides = [1, 1]} : vector<16x65536xf32> to vector<16x128xf32>
    %slice3A_370 = vector.extract_strided_slice %concatenate3A {offsets = [0, 28160], sizes = [16, 128], strides = [1, 1]} : vector<16x65536xf32> to vector<16x128xf32>
    %slice3A_371 = vector.extract_strided_slice %concatenate3A {offsets = [0, 36352], sizes = [16, 128], strides = [1, 1]} : vector<16x65536xf32> to vector<16x128xf32>
    %slice3A_372 = vector.extract_strided_slice %concatenate3A {offsets = [0, 44544], sizes = [16, 128], strides = [1, 1]} : vector<16x65536xf32> to vector<16x128xf32>
    %slice3A_373 = vector.extract_strided_slice %concatenate3A {offsets = [0, 52736], sizes = [16, 128], strides = [1, 1]} : vector<16x65536xf32> to vector<16x128xf32>
    %slice3A_374 = vector.extract_strided_slice %concatenate3A {offsets = [0, 60928], sizes = [16, 128], strides = [1, 1]} : vector<16x65536xf32> to vector<16x128xf32>
    %concatenate3A_375 = tpu.concatenate %slice3A_367, %slice3A_368, %slice3A_369, %slice3A_370, %slice3A_371, %slice3A_372, %slice3A_373, %slice3A_374 in 0 : vector<16x128xf32>, vector<16x128xf32>, vector<16x128xf32>, vector<16x128xf32>, vector<16x128xf32>, vector<16x128xf32>, vector<16x128xf32>, vector<16x128xf32> -> vector<128x128xf32>
    %transpose3A_376 = tpu.transpose %concatenate3A_375, [1, 0] : vector<128x128xf32> -> vector<128x128xf32>
    %swap3A_377 = arith.constant 3584 : index
    %swap3A_378 = arith.constant 0 : index
    %swap3A_379 = vector.load %arg3[%swap3A_377, %swap3A_378] : memref<8192x128xf32, #tpu.memory_space<vmem>>, vector<128x128xf32>
    tpu.vector_store %arg3[%swap3A_377, %swap3A_378], %transpose3A_376 {strides = array<i32>} : memref<8192x128xf32, #tpu.memory_space<vmem>>, vector<128x128xf32>,
    %slice3A_380 = vector.extract_strided_slice %concatenate3A {offsets = [0, 3712], sizes = [16, 128], strides = [1, 1]} : vector<16x65536xf32> to vector<16x128xf32>
    %slice3A_381 = vector.extract_strided_slice %concatenate3A {offsets = [0, 11904], sizes = [16, 128], strides = [1, 1]} : vector<16x65536xf32> to vector<16x128xf32>
    %slice3A_382 = vector.extract_strided_slice %concatenate3A {offsets = [0, 20096], sizes = [16, 128], strides = [1, 1]} : vector<16x65536xf32> to vector<16x128xf32>
    %slice3A_383 = vector.extract_strided_slice %concatenate3A {offsets = [0, 28288], sizes = [16, 128], strides = [1, 1]} : vector<16x65536xf32> to vector<16x128xf32>
    %slice3A_384 = vector.extract_strided_slice %concatenate3A {offsets = [0, 36480], sizes = [16, 128], strides = [1, 1]} : vector<16x65536xf32> to vector<16x128xf32>
    %slice3A_385 = vector.extract_strided_slice %concatenate3A {offsets = [0, 44672], sizes = [16, 128], strides = [1, 1]} : vector<16x65536xf32> to vector<16x128xf32>
    %slice3A_386 = vector.extract_strided_slice %concatenate3A {offsets = [0, 52864], sizes = [16, 128], strides = [1, 1]} : vector<16x65536xf32> to vector<16x128xf32>
    %slice3A_387 = vector.extract_strided_slice %concatenate3A {offsets = [0, 61056], sizes = [16, 128], strides = [1, 1]} : vector<16x65536xf32> to vector<16x128xf32>
    %concatenate3A_388 = tpu.concatenate %slice3A_380, %slice3A_381, %slice3A_382, %slice3A_383, %slice3A_384, %slice3A_385, %slice3A_386, %slice3A_387 in 0 : vector<16x128xf32>, vector<16x128xf32>, vector<16x128xf32>, vector<16x128xf32>, vector<16x128xf32>, vector<16x128xf32>, vector<16x128xf32>, vector<16x128xf32> -> vector<128x128xf32>
    %transpose3A_389 = tpu.transpose %concatenate3A_388, [1, 0] : vector<128x128xf32> -> vector<128x128xf32>
    %swap3A_390 = arith.constant 3712 : index
    %swap3A_391 = arith.constant 0 : index
    %swap3A_392 = vector.load %arg3[%swap3A_390, %swap3A_391] : memref<8192x128xf32, #tpu.memory_space<vmem>>, vector<128x128xf32>
    tpu.vector_store %arg3[%swap3A_390, %swap3A_391], %transpose3A_389 {strides = array<i32>} : memref<8192x128xf32, #tpu.memory_space<vmem>>, vector<128x128xf32>,
    %slice3A_393 = vector.extract_strided_slice %concatenate3A {offsets = [0, 3840], sizes = [16, 128], strides = [1, 1]} : vector<16x65536xf32> to vector<16x128xf32>
    %slice3A_394 = vector.extract_strided_slice %concatenate3A {offsets = [0, 12032], sizes = [16, 128], strides = [1, 1]} : vector<16x65536xf32> to vector<16x128xf32>
    %slice3A_395 = vector.extract_strided_slice %concatenate3A {offsets = [0, 20224], sizes = [16, 128], strides = [1, 1]} : vector<16x65536xf32> to vector<16x128xf32>
    %slice3A_396 = vector.extract_strided_slice %concatenate3A {offsets = [0, 28416], sizes = [16, 128], strides = [1, 1]} : vector<16x65536xf32> to vector<16x128xf32>
    %slice3A_397 = vector.extract_strided_slice %concatenate3A {offsets = [0, 36608], sizes = [16, 128], strides = [1, 1]} : vector<16x65536xf32> to vector<16x128xf32>
    %slice3A_398 = vector.extract_strided_slice %concatenate3A {offsets = [0, 44800], sizes = [16, 128], strides = [1, 1]} : vector<16x65536xf32> to vector<16x128xf32>
    %slice3A_399 = vector.extract_strided_slice %concatenate3A {offsets = [0, 52992], sizes = [16, 128], strides = [1, 1]} : vector<16x65536xf32> to vector<16x128xf32>
    %slice3A_400 = vector.extract_strided_slice %concatenate3A {offsets = [0, 61184], sizes = [16, 128], strides = [1, 1]} : vector<16x65536xf32> to vector<16x128xf32>
    %concatenate3A_401 = tpu.concatenate %slice3A_393, %slice3A_394, %slice3A_395, %slice3A_396, %slice3A_397, %slice3A_398, %slice3A_399, %slice3A_400 in 0 : vector<16x128xf32>, vector<16x128xf32>, vector<16x128xf32>, vector<16x128xf32>, vector<16x128xf32>, vector<16x128xf32>, vector<16x128xf32>, vector<16x128xf32> -> vector<128x128xf32>
    %transpose3A_402 = tpu.transpose %concatenate3A_401, [1, 0] : vector<128x128xf32> -> vector<128x128xf32>
    %swap3A_403 = arith.constant 3840 : index
    %swap3A_404 = arith.constant 0 : index
    %swap3A_405 = vector.load %arg3[%swap3A_403, %swap3A_404] : memref<8192x128xf32, #tpu.memory_space<vmem>>, vector<128x128xf32>
    tpu.vector_store %arg3[%swap3A_403, %swap3A_404], %transpose3A_402 {strides = array<i32>} : memref<8192x128xf32, #tpu.memory_space<vmem>>, vector<128x128xf32>,
    %slice3A_406 = vector.extract_strided_slice %concatenate3A {offsets = [0, 3968], sizes = [16, 128], strides = [1, 1]} : vector<16x65536xf32> to vector<16x128xf32>
    %slice3A_407 = vector.extract_strided_slice %concatenate3A {offsets = [0, 12160], sizes = [16, 128], strides = [1, 1]} : vector<16x65536xf32> to vector<16x128xf32>
    %slice3A_408 = vector.extract_strided_slice %concatenate3A {offsets = [0, 20352], sizes = [16, 128], strides = [1, 1]} : vector<16x65536xf32> to vector<16x128xf32>
    %slice3A_409 = vector.extract_strided_slice %concatenate3A {offsets = [0, 28544], sizes = [16, 128], strides = [1, 1]} : vector<16x65536xf32> to vector<16x128xf32>
    %slice3A_410 = vector.extract_strided_slice %concatenate3A {offsets = [0, 36736], sizes = [16, 128], strides = [1, 1]} : vector<16x65536xf32> to vector<16x128xf32>
    %slice3A_411 = vector.extract_strided_slice %concatenate3A {offsets = [0, 44928], sizes = [16, 128], strides = [1, 1]} : vector<16x65536xf32> to vector<16x128xf32>
    %slice3A_412 = vector.extract_strided_slice %concatenate3A {offsets = [0, 53120], sizes = [16, 128], strides = [1, 1]} : vector<16x65536xf32> to vector<16x128xf32>
    %slice3A_413 = vector.extract_strided_slice %concatenate3A {offsets = [0, 61312], sizes = [16, 128], strides = [1, 1]} : vector<16x65536xf32> to vector<16x128xf32>
    %concatenate3A_414 = tpu.concatenate %slice3A_406, %slice3A_407, %slice3A_408, %slice3A_409, %slice3A_410, %slice3A_411, %slice3A_412, %slice3A_413 in 0 : vector<16x128xf32>, vector<16x128xf32>, vector<16x128xf32>, vector<16x128xf32>, vector<16x128xf32>, vector<16x128xf32>, vector<16x128xf32>, vector<16x128xf32> -> vector<128x128xf32>
    %transpose3A_415 = tpu.transpose %concatenate3A_414, [1, 0] : vector<128x128xf32> -> vector<128x128xf32>
    %swap3A_416 = arith.constant 3968 : index
    %swap3A_417 = arith.constant 0 : index
    %swap3A_418 = vector.load %arg3[%swap3A_416, %swap3A_417] : memref<8192x128xf32, #tpu.memory_space<vmem>>, vector<128x128xf32>
    tpu.vector_store %arg3[%swap3A_416, %swap3A_417], %transpose3A_415 {strides = array<i32>} : memref<8192x128xf32, #tpu.memory_space<vmem>>, vector<128x128xf32>,
    %slice3A_419 = vector.extract_strided_slice %concatenate3A {offsets = [0, 4096], sizes = [16, 128], strides = [1, 1]} : vector<16x65536xf32> to vector<16x128xf32>
    %slice3A_420 = vector.extract_strided_slice %concatenate3A {offsets = [0, 12288], sizes = [16, 128], strides = [1, 1]} : vector<16x65536xf32> to vector<16x128xf32>
    %slice3A_421 = vector.extract_strided_slice %concatenate3A {offsets = [0, 20480], sizes = [16, 128], strides = [1, 1]} : vector<16x65536xf32> to vector<16x128xf32>
    %slice3A_422 = vector.extract_strided_slice %concatenate3A {offsets = [0, 28672], sizes = [16, 128], strides = [1, 1]} : vector<16x65536xf32> to vector<16x128xf32>
    %slice3A_423 = vector.extract_strided_slice %concatenate3A {offsets = [0, 36864], sizes = [16, 128], strides = [1, 1]} : vector<16x65536xf32> to vector<16x128xf32>
    %slice3A_424 = vector.extract_strided_slice %concatenate3A {offsets = [0, 45056], sizes = [16, 128], strides = [1, 1]} : vector<16x65536xf32> to vector<16x128xf32>
    %slice3A_425 = vector.extract_strided_slice %concatenate3A {offsets = [0, 53248], sizes = [16, 128], strides = [1, 1]} : vector<16x65536xf32> to vector<16x128xf32>
    %slice3A_426 = vector.extract_strided_slice %concatenate3A {offsets = [0, 61440], sizes = [16, 128], strides = [1, 1]} : vector<16x65536xf32> to vector<16x128xf32>
    %concatenate3A_427 = tpu.concatenate %slice3A_419, %slice3A_420, %slice3A_421, %slice3A_422, %slice3A_423, %slice3A_424, %slice3A_425, %slice3A_426 in 0 : vector<16x128xf32>, vector<16x128xf32>, vector<16x128xf32>, vector<16x128xf32>, vector<16x128xf32>, vector<16x128xf32>, vector<16x128xf32>, vector<16x128xf32> -> vector<128x128xf32>
    %transpose3A_428 = tpu.transpose %concatenate3A_427, [1, 0] : vector<128x128xf32> -> vector<128x128xf32>
    %swap3A_429 = arith.constant 4096 : index
    %swap3A_430 = arith.constant 0 : index
    %swap3A_431 = vector.load %arg3[%swap3A_429, %swap3A_430] : memref<8192x128xf32, #tpu.memory_space<vmem>>, vector<128x128xf32>
    tpu.vector_store %arg3[%swap3A_429, %swap3A_430], %transpose3A_428 {strides = array<i32>} : memref<8192x128xf32, #tpu.memory_space<vmem>>, vector<128x128xf32>,
    %slice3A_432 = vector.extract_strided_slice %concatenate3A {offsets = [0, 4224], sizes = [16, 128], strides = [1, 1]} : vector<16x65536xf32> to vector<16x128xf32>
    %slice3A_433 = vector.extract_strided_slice %concatenate3A {offsets = [0, 12416], sizes = [16, 128], strides = [1, 1]} : vector<16x65536xf32> to vector<16x128xf32>
    %slice3A_434 = vector.extract_strided_slice %concatenate3A {offsets = [0, 20608], sizes = [16, 128], strides = [1, 1]} : vector<16x65536xf32> to vector<16x128xf32>
    %slice3A_435 = vector.extract_strided_slice %concatenate3A {offsets = [0, 28800], sizes = [16, 128], strides = [1, 1]} : vector<16x65536xf32> to vector<16x128xf32>
    %slice3A_436 = vector.extract_strided_slice %concatenate3A {offsets = [0, 36992], sizes = [16, 128], strides = [1, 1]} : vector<16x65536xf32> to vector<16x128xf32>
    %slice3A_437 = vector.extract_strided_slice %concatenate3A {offsets = [0, 45184], sizes = [16, 128], strides = [1, 1]} : vector<16x65536xf32> to vector<16x128xf32>
    %slice3A_438 = vector.extract_strided_slice %concatenate3A {offsets = [0, 53376], sizes = [16, 128], strides = [1, 1]} : vector<16x65536xf32> to vector<16x128xf32>
    %slice3A_439 = vector.extract_strided_slice %concatenate3A {offsets = [0, 61568], sizes = [16, 128], strides = [1, 1]} : vector<16x65536xf32> to vector<16x128xf32>
    %concatenate3A_440 = tpu.concatenate %slice3A_432, %slice3A_433, %slice3A_434, %slice3A_435, %slice3A_436, %slice3A_437, %slice3A_438, %slice3A_439 in 0 : vector<16x128xf32>, vector<16x128xf32>, vector<16x128xf32>, vector<16x128xf32>, vector<16x128xf32>, vector<16x128xf32>, vector<16x128xf32>, vector<16x128xf32> -> vector<128x128xf32>
    %transpose3A_441 = tpu.transpose %concatenate3A_440, [1, 0] : vector<128x128xf32> -> vector<128x128xf32>
    %swap3A_442 = arith.constant 4224 : index
    %swap3A_443 = arith.constant 0 : index
    %swap3A_444 = vector.load %arg3[%swap3A_442, %swap3A_443] : memref<8192x128xf32, #tpu.memory_space<vmem>>, vector<128x128xf32>
    tpu.vector_store %arg3[%swap3A_442, %swap3A_443], %transpose3A_441 {strides = array<i32>} : memref<8192x128xf32, #tpu.memory_space<vmem>>, vector<128x128xf32>,
    %slice3A_445 = vector.extract_strided_slice %concatenate3A {offsets = [0, 4352], sizes = [16, 128], strides = [1, 1]} : vector<16x65536xf32> to vector<16x128xf32>
    %slice3A_446 = vector.extract_strided_slice %concatenate3A {offsets = [0, 12544], sizes = [16, 128], strides = [1, 1]} : vector<16x65536xf32> to vector<16x128xf32>
    %slice3A_447 = vector.extract_strided_slice %concatenate3A {offsets = [0, 20736], sizes = [16, 128], strides = [1, 1]} : vector<16x65536xf32> to vector<16x128xf32>
    %slice3A_448 = vector.extract_strided_slice %concatenate3A {offsets = [0, 28928], sizes = [16, 128], strides = [1, 1]} : vector<16x65536xf32> to vector<16x128xf32>
    %slice3A_449 = vector.extract_strided_slice %concatenate3A {offsets = [0, 37120], sizes = [16, 128], strides = [1, 1]} : vector<16x65536xf32> to vector<16x128xf32>
    %slice3A_450 = vector.extract_strided_slice %concatenate3A {offsets = [0, 45312], sizes = [16, 128], strides = [1, 1]} : vector<16x65536xf32> to vector<16x128xf32>
    %slice3A_451 = vector.extract_strided_slice %concatenate3A {offsets = [0, 53504], sizes = [16, 128], strides = [1, 1]} : vector<16x65536xf32> to vector<16x128xf32>
    %slice3A_452 = vector.extract_strided_slice %concatenate3A {offsets = [0, 61696], sizes = [16, 128], strides = [1, 1]} : vector<16x65536xf32> to vector<16x128xf32>
    %concatenate3A_453 = tpu.concatenate %slice3A_445, %slice3A_446, %slice3A_447, %slice3A_448, %slice3A_449, %slice3A_450, %slice3A_451, %slice3A_452 in 0 : vector<16x128xf32>, vector<16x128xf32>, vector<16x128xf32>, vector<16x128xf32>, vector<16x128xf32>, vector<16x128xf32>, vector<16x128xf32>, vector<16x128xf32> -> vector<128x128xf32>
    %transpose3A_454 = tpu.transpose %concatenate3A_453, [1, 0] : vector<128x128xf32> -> vector<128x128xf32>
    %swap3A_455 = arith.constant 4352 : index
    %swap3A_456 = arith.constant 0 : index
    %swap3A_457 = vector.load %arg3[%swap3A_455, %swap3A_456] : memref<8192x128xf32, #tpu.memory_space<vmem>>, vector<128x128xf32>
    tpu.vector_store %arg3[%swap3A_455, %swap3A_456], %transpose3A_454 {strides = array<i32>} : memref<8192x128xf32, #tpu.memory_space<vmem>>, vector<128x128xf32>,
    %slice3A_458 = vector.extract_strided_slice %concatenate3A {offsets = [0, 4480], sizes = [16, 128], strides = [1, 1]} : vector<16x65536xf32> to vector<16x128xf32>
    %slice3A_459 = vector.extract_strided_slice %concatenate3A {offsets = [0, 12672], sizes = [16, 128], strides = [1, 1]} : vector<16x65536xf32> to vector<16x128xf32>
    %slice3A_460 = vector.extract_strided_slice %concatenate3A {offsets = [0, 20864], sizes = [16, 128], strides = [1, 1]} : vector<16x65536xf32> to vector<16x128xf32>
    %slice3A_461 = vector.extract_strided_slice %concatenate3A {offsets = [0, 29056], sizes = [16, 128], strides = [1, 1]} : vector<16x65536xf32> to vector<16x128xf32>
    %slice3A_462 = vector.extract_strided_slice %concatenate3A {offsets = [0, 37248], sizes = [16, 128], strides = [1, 1]} : vector<16x65536xf32> to vector<16x128xf32>
    %slice3A_463 = vector.extract_strided_slice %concatenate3A {offsets = [0, 45440], sizes = [16, 128], strides = [1, 1]} : vector<16x65536xf32> to vector<16x128xf32>
    %slice3A_464 = vector.extract_strided_slice %concatenate3A {offsets = [0, 53632], sizes = [16, 128], strides = [1, 1]} : vector<16x65536xf32> to vector<16x128xf32>
    %slice3A_465 = vector.extract_strided_slice %concatenate3A {offsets = [0, 61824], sizes = [16, 128], strides = [1, 1]} : vector<16x65536xf32> to vector<16x128xf32>
    %concatenate3A_466 = tpu.concatenate %slice3A_458, %slice3A_459, %slice3A_460, %slice3A_461, %slice3A_462, %slice3A_463, %slice3A_464, %slice3A_465 in 0 : vector<16x128xf32>, vector<16x128xf32>, vector<16x128xf32>, vector<16x128xf32>, vector<16x128xf32>, vector<16x128xf32>, vector<16x128xf32>, vector<16x128xf32> -> vector<128x128xf32>
    %transpose3A_467 = tpu.transpose %concatenate3A_466, [1, 0] : vector<128x128xf32> -> vector<128x128xf32>
    %swap3A_468 = arith.constant 4480 : index
    %swap3A_469 = arith.constant 0 : index
    %swap3A_470 = vector.load %arg3[%swap3A_468, %swap3A_469] : memref<8192x128xf32, #tpu.memory_space<vmem>>, vector<128x128xf32>
    tpu.vector_store %arg3[%swap3A_468, %swap3A_469], %transpose3A_467 {strides = array<i32>} : memref<8192x128xf32, #tpu.memory_space<vmem>>, vector<128x128xf32>,
    %slice3A_471 = vector.extract_strided_slice %concatenate3A {offsets = [0, 4608], sizes = [16, 128], strides = [1, 1]} : vector<16x65536xf32> to vector<16x128xf32>
    %slice3A_472 = vector.extract_strided_slice %concatenate3A {offsets = [0, 12800], sizes = [16, 128], strides = [1, 1]} : vector<16x65536xf32> to vector<16x128xf32>
    %slice3A_473 = vector.extract_strided_slice %concatenate3A {offsets = [0, 20992], sizes = [16, 128], strides = [1, 1]} : vector<16x65536xf32> to vector<16x128xf32>
    %slice3A_474 = vector.extract_strided_slice %concatenate3A {offsets = [0, 29184], sizes = [16, 128], strides = [1, 1]} : vector<16x65536xf32> to vector<16x128xf32>
    %slice3A_475 = vector.extract_strided_slice %concatenate3A {offsets = [0, 37376], sizes = [16, 128], strides = [1, 1]} : vector<16x65536xf32> to vector<16x128xf32>
    %slice3A_476 = vector.extract_strided_slice %concatenate3A {offsets = [0, 45568], sizes = [16, 128], strides = [1, 1]} : vector<16x65536xf32> to vector<16x128xf32>
    %slice3A_477 = vector.extract_strided_slice %concatenate3A {offsets = [0, 53760], sizes = [16, 128], strides = [1, 1]} : vector<16x65536xf32> to vector<16x128xf32>
    %slice3A_478 = vector.extract_strided_slice %concatenate3A {offsets = [0, 61952], sizes = [16, 128], strides = [1, 1]} : vector<16x65536xf32> to vector<16x128xf32>
    %concatenate3A_479 = tpu.concatenate %slice3A_471, %slice3A_472, %slice3A_473, %slice3A_474, %slice3A_475, %slice3A_476, %slice3A_477, %slice3A_478 in 0 : vector<16x128xf32>, vector<16x128xf32>, vector<16x128xf32>, vector<16x128xf32>, vector<16x128xf32>, vector<16x128xf32>, vector<16x128xf32>, vector<16x128xf32> -> vector<128x128xf32>
    %transpose3A_480 = tpu.transpose %concatenate3A_479, [1, 0] : vector<128x128xf32> -> vector<128x128xf32>
    %swap3A_481 = arith.constant 4608 : index
    %swap3A_482 = arith.constant 0 : index
    %swap3A_483 = vector.load %arg3[%swap3A_481, %swap3A_482] : memref<8192x128xf32, #tpu.memory_space<vmem>>, vector<128x128xf32>
    tpu.vector_store %arg3[%swap3A_481, %swap3A_482], %transpose3A_480 {strides = array<i32>} : memref<8192x128xf32, #tpu.memory_space<vmem>>, vector<128x128xf32>,
    %slice3A_484 = vector.extract_strided_slice %concatenate3A {offsets = [0, 4736], sizes = [16, 128], strides = [1, 1]} : vector<16x65536xf32> to vector<16x128xf32>
    %slice3A_485 = vector.extract_strided_slice %concatenate3A {offsets = [0, 12928], sizes = [16, 128], strides = [1, 1]} : vector<16x65536xf32> to vector<16x128xf32>
    %slice3A_486 = vector.extract_strided_slice %concatenate3A {offsets = [0, 21120], sizes = [16, 128], strides = [1, 1]} : vector<16x65536xf32> to vector<16x128xf32>
    %slice3A_487 = vector.extract_strided_slice %concatenate3A {offsets = [0, 29312], sizes = [16, 128], strides = [1, 1]} : vector<16x65536xf32> to vector<16x128xf32>
    %slice3A_488 = vector.extract_strided_slice %concatenate3A {offsets = [0, 37504], sizes = [16, 128], strides = [1, 1]} : vector<16x65536xf32> to vector<16x128xf32>
    %slice3A_489 = vector.extract_strided_slice %concatenate3A {offsets = [0, 45696], sizes = [16, 128], strides = [1, 1]} : vector<16x65536xf32> to vector<16x128xf32>
    %slice3A_490 = vector.extract_strided_slice %concatenate3A {offsets = [0, 53888], sizes = [16, 128], strides = [1, 1]} : vector<16x65536xf32> to vector<16x128xf32>
    %slice3A_491 = vector.extract_strided_slice %concatenate3A {offsets = [0, 62080], sizes = [16, 128], strides = [1, 1]} : vector<16x65536xf32> to vector<16x128xf32>
    %concatenate3A_492 = tpu.concatenate %slice3A_484, %slice3A_485, %slice3A_486, %slice3A_487, %slice3A_488, %slice3A_489, %slice3A_490, %slice3A_491 in 0 : vector<16x128xf32>, vector<16x128xf32>, vector<16x128xf32>, vector<16x128xf32>, vector<16x128xf32>, vector<16x128xf32>, vector<16x128xf32>, vector<16x128xf32> -> vector<128x128xf32>
    %transpose3A_493 = tpu.transpose %concatenate3A_492, [1, 0] : vector<128x128xf32> -> vector<128x128xf32>
    %swap3A_494 = arith.constant 4736 : index
    %swap3A_495 = arith.constant 0 : index
    %swap3A_496 = vector.load %arg3[%swap3A_494, %swap3A_495] : memref<8192x128xf32, #tpu.memory_space<vmem>>, vector<128x128xf32>
    tpu.vector_store %arg3[%swap3A_494, %swap3A_495], %transpose3A_493 {strides = array<i32>} : memref<8192x128xf32, #tpu.memory_space<vmem>>, vector<128x128xf32>,
    %slice3A_497 = vector.extract_strided_slice %concatenate3A {offsets = [0, 4864], sizes = [16, 128], strides = [1, 1]} : vector<16x65536xf32> to vector<16x128xf32>
    %slice3A_498 = vector.extract_strided_slice %concatenate3A {offsets = [0, 13056], sizes = [16, 128], strides = [1, 1]} : vector<16x65536xf32> to vector<16x128xf32>
    %slice3A_499 = vector.extract_strided_slice %concatenate3A {offsets = [0, 21248], sizes = [16, 128], strides = [1, 1]} : vector<16x65536xf32> to vector<16x128xf32>
    %slice3A_500 = vector.extract_strided_slice %concatenate3A {offsets = [0, 29440], sizes = [16, 128], strides = [1, 1]} : vector<16x65536xf32> to vector<16x128xf32>
    %slice3A_501 = vector.extract_strided_slice %concatenate3A {offsets = [0, 37632], sizes = [16, 128], strides = [1, 1]} : vector<16x65536xf32> to vector<16x128xf32>
    %slice3A_502 = vector.extract_strided_slice %concatenate3A {offsets = [0, 45824], sizes = [16, 128], strides = [1, 1]} : vector<16x65536xf32> to vector<16x128xf32>
    %slice3A_503 = vector.extract_strided_slice %concatenate3A {offsets = [0, 54016], sizes = [16, 128], strides = [1, 1]} : vector<16x65536xf32> to vector<16x128xf32>
    %slice3A_504 = vector.extract_strided_slice %concatenate3A {offsets = [0, 62208], sizes = [16, 128], strides = [1, 1]} : vector<16x65536xf32> to vector<16x128xf32>
    %concatenate3A_505 = tpu.concatenate %slice3A_497, %slice3A_498, %slice3A_499, %slice3A_500, %slice3A_501, %slice3A_502, %slice3A_503, %slice3A_504 in 0 : vector<16x128xf32>, vector<16x128xf32>, vector<16x128xf32>, vector<16x128xf32>, vector<16x128xf32>, vector<16x128xf32>, vector<16x128xf32>, vector<16x128xf32> -> vector<128x128xf32>
    %transpose3A_506 = tpu.transpose %concatenate3A_505, [1, 0] : vector<128x128xf32> -> vector<128x128xf32>
    %swap3A_507 = arith.constant 4864 : index
    %swap3A_508 = arith.constant 0 : index
    %swap3A_509 = vector.load %arg3[%swap3A_507, %swap3A_508] : memref<8192x128xf32, #tpu.memory_space<vmem>>, vector<128x128xf32>
    tpu.vector_store %arg3[%swap3A_507, %swap3A_508], %transpose3A_506 {strides = array<i32>} : memref<8192x128xf32, #tpu.memory_space<vmem>>, vector<128x128xf32>,
    %slice3A_510 = vector.extract_strided_slice %concatenate3A {offsets = [0, 4992], sizes = [16, 128], strides = [1, 1]} : vector<16x65536xf32> to vector<16x128xf32>
    %slice3A_511 = vector.extract_strided_slice %concatenate3A {offsets = [0, 13184], sizes = [16, 128], strides = [1, 1]} : vector<16x65536xf32> to vector<16x128xf32>
    %slice3A_512 = vector.extract_strided_slice %concatenate3A {offsets = [0, 21376], sizes = [16, 128], strides = [1, 1]} : vector<16x65536xf32> to vector<16x128xf32>
    %slice3A_513 = vector.extract_strided_slice %concatenate3A {offsets = [0, 29568], sizes = [16, 128], strides = [1, 1]} : vector<16x65536xf32> to vector<16x128xf32>
    %slice3A_514 = vector.extract_strided_slice %concatenate3A {offsets = [0, 37760], sizes = [16, 128], strides = [1, 1]} : vector<16x65536xf32> to vector<16x128xf32>
    %slice3A_515 = vector.extract_strided_slice %concatenate3A {offsets = [0, 45952], sizes = [16, 128], strides = [1, 1]} : vector<16x65536xf32> to vector<16x128xf32>
    %slice3A_516 = vector.extract_strided_slice %concatenate3A {offsets = [0, 54144], sizes = [16, 128], strides = [1, 1]} : vector<16x65536xf32> to vector<16x128xf32>
    %slice3A_517 = vector.extract_strided_slice %concatenate3A {offsets = [0, 62336], sizes = [16, 128], strides = [1, 1]} : vector<16x65536xf32> to vector<16x128xf32>
    %concatenate3A_518 = tpu.concatenate %slice3A_510, %slice3A_511, %slice3A_512, %slice3A_513, %slice3A_514, %slice3A_515, %slice3A_516, %slice3A_517 in 0 : vector<16x128xf32>, vector<16x128xf32>, vector<16x128xf32>, vector<16x128xf32>, vector<16x128xf32>, vector<16x128xf32>, vector<16x128xf32>, vector<16x128xf32> -> vector<128x128xf32>
    %transpose3A_519 = tpu.transpose %concatenate3A_518, [1, 0] : vector<128x128xf32> -> vector<128x128xf32>
    %swap3A_520 = arith.constant 4992 : index
    %swap3A_521 = arith.constant 0 : index
    %swap3A_522 = vector.load %arg3[%swap3A_520, %swap3A_521] : memref<8192x128xf32, #tpu.memory_space<vmem>>, vector<128x128xf32>
    tpu.vector_store %arg3[%swap3A_520, %swap3A_521], %transpose3A_519 {strides = array<i32>} : memref<8192x128xf32, #tpu.memory_space<vmem>>, vector<128x128xf32>,
    %slice3A_523 = vector.extract_strided_slice %concatenate3A {offsets = [0, 5120], sizes = [16, 128], strides = [1, 1]} : vector<16x65536xf32> to vector<16x128xf32>
    %slice3A_524 = vector.extract_strided_slice %concatenate3A {offsets = [0, 13312], sizes = [16, 128], strides = [1, 1]} : vector<16x65536xf32> to vector<16x128xf32>
    %slice3A_525 = vector.extract_strided_slice %concatenate3A {offsets = [0, 21504], sizes = [16, 128], strides = [1, 1]} : vector<16x65536xf32> to vector<16x128xf32>
    %slice3A_526 = vector.extract_strided_slice %concatenate3A {offsets = [0, 29696], sizes = [16, 128], strides = [1, 1]} : vector<16x65536xf32> to vector<16x128xf32>
    %slice3A_527 = vector.extract_strided_slice %concatenate3A {offsets = [0, 37888], sizes = [16, 128], strides = [1, 1]} : vector<16x65536xf32> to vector<16x128xf32>
    %slice3A_528 = vector.extract_strided_slice %concatenate3A {offsets = [0, 46080], sizes = [16, 128], strides = [1, 1]} : vector<16x65536xf32> to vector<16x128xf32>
    %slice3A_529 = vector.extract_strided_slice %concatenate3A {offsets = [0, 54272], sizes = [16, 128], strides = [1, 1]} : vector<16x65536xf32> to vector<16x128xf32>
    %slice3A_530 = vector.extract_strided_slice %concatenate3A {offsets = [0, 62464], sizes = [16, 128], strides = [1, 1]} : vector<16x65536xf32> to vector<16x128xf32>
    %concatenate3A_531 = tpu.concatenate %slice3A_523, %slice3A_524, %slice3A_525, %slice3A_526, %slice3A_527, %slice3A_528, %slice3A_529, %slice3A_530 in 0 : vector<16x128xf32>, vector<16x128xf32>, vector<16x128xf32>, vector<16x128xf32>, vector<16x128xf32>, vector<16x128xf32>, vector<16x128xf32>, vector<16x128xf32> -> vector<128x128xf32>
    %transpose3A_532 = tpu.transpose %concatenate3A_531, [1, 0] : vector<128x128xf32> -> vector<128x128xf32>
    %swap3A_533 = arith.constant 5120 : index
    %swap3A_534 = arith.constant 0 : index
    %swap3A_535 = vector.load %arg3[%swap3A_533, %swap3A_534] : memref<8192x128xf32, #tpu.memory_space<vmem>>, vector<128x128xf32>
    tpu.vector_store %arg3[%swap3A_533, %swap3A_534], %transpose3A_532 {strides = array<i32>} : memref<8192x128xf32, #tpu.memory_space<vmem>>, vector<128x128xf32>,
    %slice3A_536 = vector.extract_strided_slice %concatenate3A {offsets = [0, 5248], sizes = [16, 128], strides = [1, 1]} : vector<16x65536xf32> to vector<16x128xf32>
    %slice3A_537 = vector.extract_strided_slice %concatenate3A {offsets = [0, 13440], sizes = [16, 128], strides = [1, 1]} : vector<16x65536xf32> to vector<16x128xf32>
    %slice3A_538 = vector.extract_strided_slice %concatenate3A {offsets = [0, 21632], sizes = [16, 128], strides = [1, 1]} : vector<16x65536xf32> to vector<16x128xf32>
    %slice3A_539 = vector.extract_strided_slice %concatenate3A {offsets = [0, 29824], sizes = [16, 128], strides = [1, 1]} : vector<16x65536xf32> to vector<16x128xf32>
    %slice3A_540 = vector.extract_strided_slice %concatenate3A {offsets = [0, 38016], sizes = [16, 128], strides = [1, 1]} : vector<16x65536xf32> to vector<16x128xf32>
    %slice3A_541 = vector.extract_strided_slice %concatenate3A {offsets = [0, 46208], sizes = [16, 128], strides = [1, 1]} : vector<16x65536xf32> to vector<16x128xf32>
    %slice3A_542 = vector.extract_strided_slice %concatenate3A {offsets = [0, 54400], sizes = [16, 128], strides = [1, 1]} : vector<16x65536xf32> to vector<16x128xf32>
    %slice3A_543 = vector.extract_strided_slice %concatenate3A {offsets = [0, 62592], sizes = [16, 128], strides = [1, 1]} : vector<16x65536xf32> to vector<16x128xf32>
    %concatenate3A_544 = tpu.concatenate %slice3A_536, %slice3A_537, %slice3A_538, %slice3A_539, %slice3A_540, %slice3A_541, %slice3A_542, %slice3A_543 in 0 : vector<16x128xf32>, vector<16x128xf32>, vector<16x128xf32>, vector<16x128xf32>, vector<16x128xf32>, vector<16x128xf32>, vector<16x128xf32>, vector<16x128xf32> -> vector<128x128xf32>
    %transpose3A_545 = tpu.transpose %concatenate3A_544, [1, 0] : vector<128x128xf32> -> vector<128x128xf32>
    %swap3A_546 = arith.constant 5248 : index
    %swap3A_547 = arith.constant 0 : index
    %swap3A_548 = vector.load %arg3[%swap3A_546, %swap3A_547] : memref<8192x128xf32, #tpu.memory_space<vmem>>, vector<128x128xf32>
    tpu.vector_store %arg3[%swap3A_546, %swap3A_547], %transpose3A_545 {strides = array<i32>} : memref<8192x128xf32, #tpu.memory_space<vmem>>, vector<128x128xf32>,
    %slice3A_549 = vector.extract_strided_slice %concatenate3A {offsets = [0, 5376], sizes = [16, 128], strides = [1, 1]} : vector<16x65536xf32> to vector<16x128xf32>
    %slice3A_550 = vector.extract_strided_slice %concatenate3A {offsets = [0, 13568], sizes = [16, 128], strides = [1, 1]} : vector<16x65536xf32> to vector<16x128xf32>
    %slice3A_551 = vector.extract_strided_slice %concatenate3A {offsets = [0, 21760], sizes = [16, 128], strides = [1, 1]} : vector<16x65536xf32> to vector<16x128xf32>
    %slice3A_552 = vector.extract_strided_slice %concatenate3A {offsets = [0, 29952], sizes = [16, 128], strides = [1, 1]} : vector<16x65536xf32> to vector<16x128xf32>
    %slice3A_553 = vector.extract_strided_slice %concatenate3A {offsets = [0, 38144], sizes = [16, 128], strides = [1, 1]} : vector<16x65536xf32> to vector<16x128xf32>
    %slice3A_554 = vector.extract_strided_slice %concatenate3A {offsets = [0, 46336], sizes = [16, 128], strides = [1, 1]} : vector<16x65536xf32> to vector<16x128xf32>
    %slice3A_555 = vector.extract_strided_slice %concatenate3A {offsets = [0, 54528], sizes = [16, 128], strides = [1, 1]} : vector<16x65536xf32> to vector<16x128xf32>
    %slice3A_556 = vector.extract_strided_slice %concatenate3A {offsets = [0, 62720], sizes = [16, 128], strides = [1, 1]} : vector<16x65536xf32> to vector<16x128xf32>
    %concatenate3A_557 = tpu.concatenate %slice3A_549, %slice3A_550, %slice3A_551, %slice3A_552, %slice3A_553, %slice3A_554, %slice3A_555, %slice3A_556 in 0 : vector<16x128xf32>, vector<16x128xf32>, vector<16x128xf32>, vector<16x128xf32>, vector<16x128xf32>, vector<16x128xf32>, vector<16x128xf32>, vector<16x128xf32> -> vector<128x128xf32>
    %transpose3A_558 = tpu.transpose %concatenate3A_557, [1, 0] : vector<128x128xf32> -> vector<128x128xf32>
    %swap3A_559 = arith.constant 5376 : index
    %swap3A_560 = arith.constant 0 : index
    %swap3A_561 = vector.load %arg3[%swap3A_559, %swap3A_560] : memref<8192x128xf32, #tpu.memory_space<vmem>>, vector<128x128xf32>
    tpu.vector_store %arg3[%swap3A_559, %swap3A_560], %transpose3A_558 {strides = array<i32>} : memref<8192x128xf32, #tpu.memory_space<vmem>>, vector<128x128xf32>,
    %slice3A_562 = vector.extract_strided_slice %concatenate3A {offsets = [0, 5504], sizes = [16, 128], strides = [1, 1]} : vector<16x65536xf32> to vector<16x128xf32>
    %slice3A_563 = vector.extract_strided_slice %concatenate3A {offsets = [0, 13696], sizes = [16, 128], strides = [1, 1]} : vector<16x65536xf32> to vector<16x128xf32>
    %slice3A_564 = vector.extract_strided_slice %concatenate3A {offsets = [0, 21888], sizes = [16, 128], strides = [1, 1]} : vector<16x65536xf32> to vector<16x128xf32>
    %slice3A_565 = vector.extract_strided_slice %concatenate3A {offsets = [0, 30080], sizes = [16, 128], strides = [1, 1]} : vector<16x65536xf32> to vector<16x128xf32>
    %slice3A_566 = vector.extract_strided_slice %concatenate3A {offsets = [0, 38272], sizes = [16, 128], strides = [1, 1]} : vector<16x65536xf32> to vector<16x128xf32>
    %slice3A_567 = vector.extract_strided_slice %concatenate3A {offsets = [0, 46464], sizes = [16, 128], strides = [1, 1]} : vector<16x65536xf32> to vector<16x128xf32>
    %slice3A_568 = vector.extract_strided_slice %concatenate3A {offsets = [0, 54656], sizes = [16, 128], strides = [1, 1]} : vector<16x65536xf32> to vector<16x128xf32>
    %slice3A_569 = vector.extract_strided_slice %concatenate3A {offsets = [0, 62848], sizes = [16, 128], strides = [1, 1]} : vector<16x65536xf32> to vector<16x128xf32>
    %concatenate3A_570 = tpu.concatenate %slice3A_562, %slice3A_563, %slice3A_564, %slice3A_565, %slice3A_566, %slice3A_567, %slice3A_568, %slice3A_569 in 0 : vector<16x128xf32>, vector<16x128xf32>, vector<16x128xf32>, vector<16x128xf32>, vector<16x128xf32>, vector<16x128xf32>, vector<16x128xf32>, vector<16x128xf32> -> vector<128x128xf32>
    %transpose3A_571 = tpu.transpose %concatenate3A_570, [1, 0] : vector<128x128xf32> -> vector<128x128xf32>
    %swap3A_572 = arith.constant 5504 : index
    %swap3A_573 = arith.constant 0 : index
    %swap3A_574 = vector.load %arg3[%swap3A_572, %swap3A_573] : memref<8192x128xf32, #tpu.memory_space<vmem>>, vector<128x128xf32>
    tpu.vector_store %arg3[%swap3A_572, %swap3A_573], %transpose3A_571 {strides = array<i32>} : memref<8192x128xf32, #tpu.memory_space<vmem>>, vector<128x128xf32>,
    %slice3A_575 = vector.extract_strided_slice %concatenate3A {offsets = [0, 5632], sizes = [16, 128], strides = [1, 1]} : vector<16x65536xf32> to vector<16x128xf32>
    %slice3A_576 = vector.extract_strided_slice %concatenate3A {offsets = [0, 13824], sizes = [16, 128], strides = [1, 1]} : vector<16x65536xf32> to vector<16x128xf32>
    %slice3A_577 = vector.extract_strided_slice %concatenate3A {offsets = [0, 22016], sizes = [16, 128], strides = [1, 1]} : vector<16x65536xf32> to vector<16x128xf32>
    %slice3A_578 = vector.extract_strided_slice %concatenate3A {offsets = [0, 30208], sizes = [16, 128], strides = [1, 1]} : vector<16x65536xf32> to vector<16x128xf32>
    %slice3A_579 = vector.extract_strided_slice %concatenate3A {offsets = [0, 38400], sizes = [16, 128], strides = [1, 1]} : vector<16x65536xf32> to vector<16x128xf32>
    %slice3A_580 = vector.extract_strided_slice %concatenate3A {offsets = [0, 46592], sizes = [16, 128], strides = [1, 1]} : vector<16x65536xf32> to vector<16x128xf32>
    %slice3A_581 = vector.extract_strided_slice %concatenate3A {offsets = [0, 54784], sizes = [16, 128], strides = [1, 1]} : vector<16x65536xf32> to vector<16x128xf32>
    %slice3A_582 = vector.extract_strided_slice %concatenate3A {offsets = [0, 62976], sizes = [16, 128], strides = [1, 1]} : vector<16x65536xf32> to vector<16x128xf32>
    %concatenate3A_583 = tpu.concatenate %slice3A_575, %slice3A_576, %slice3A_577, %slice3A_578, %slice3A_579, %slice3A_580, %slice3A_581, %slice3A_582 in 0 : vector<16x128xf32>, vector<16x128xf32>, vector<16x128xf32>, vector<16x128xf32>, vector<16x128xf32>, vector<16x128xf32>, vector<16x128xf32>, vector<16x128xf32> -> vector<128x128xf32>
    %transpose3A_584 = tpu.transpose %concatenate3A_583, [1, 0] : vector<128x128xf32> -> vector<128x128xf32>
    %swap3A_585 = arith.constant 5632 : index
    %swap3A_586 = arith.constant 0 : index
    %swap3A_587 = vector.load %arg3[%swap3A_585, %swap3A_586] : memref<8192x128xf32, #tpu.memory_space<vmem>>, vector<128x128xf32>
    tpu.vector_store %arg3[%swap3A_585, %swap3A_586], %transpose3A_584 {strides = array<i32>} : memref<8192x128xf32, #tpu.memory_space<vmem>>, vector<128x128xf32>,
    %slice3A_588 = vector.extract_strided_slice %concatenate3A {offsets = [0, 5760], sizes = [16, 128], strides = [1, 1]} : vector<16x65536xf32> to vector<16x128xf32>
    %slice3A_589 = vector.extract_strided_slice %concatenate3A {offsets = [0, 13952], sizes = [16, 128], strides = [1, 1]} : vector<16x65536xf32> to vector<16x128xf32>
    %slice3A_590 = vector.extract_strided_slice %concatenate3A {offsets = [0, 22144], sizes = [16, 128], strides = [1, 1]} : vector<16x65536xf32> to vector<16x128xf32>
    %slice3A_591 = vector.extract_strided_slice %concatenate3A {offsets = [0, 30336], sizes = [16, 128], strides = [1, 1]} : vector<16x65536xf32> to vector<16x128xf32>
    %slice3A_592 = vector.extract_strided_slice %concatenate3A {offsets = [0, 38528], sizes = [16, 128], strides = [1, 1]} : vector<16x65536xf32> to vector<16x128xf32>
    %slice3A_593 = vector.extract_strided_slice %concatenate3A {offsets = [0, 46720], sizes = [16, 128], strides = [1, 1]} : vector<16x65536xf32> to vector<16x128xf32>
    %slice3A_594 = vector.extract_strided_slice %concatenate3A {offsets = [0, 54912], sizes = [16, 128], strides = [1, 1]} : vector<16x65536xf32> to vector<16x128xf32>
    %slice3A_595 = vector.extract_strided_slice %concatenate3A {offsets = [0, 63104], sizes = [16, 128], strides = [1, 1]} : vector<16x65536xf32> to vector<16x128xf32>
    %concatenate3A_596 = tpu.concatenate %slice3A_588, %slice3A_589, %slice3A_590, %slice3A_591, %slice3A_592, %slice3A_593, %slice3A_594, %slice3A_595 in 0 : vector<16x128xf32>, vector<16x128xf32>, vector<16x128xf32>, vector<16x128xf32>, vector<16x128xf32>, vector<16x128xf32>, vector<16x128xf32>, vector<16x128xf32> -> vector<128x128xf32>
    %transpose3A_597 = tpu.transpose %concatenate3A_596, [1, 0] : vector<128x128xf32> -> vector<128x128xf32>
    %swap3A_598 = arith.constant 5760 : index
    %swap3A_599 = arith.constant 0 : index
    %swap3A_600 = vector.load %arg3[%swap3A_598, %swap3A_599] : memref<8192x128xf32, #tpu.memory_space<vmem>>, vector<128x128xf32>
    tpu.vector_store %arg3[%swap3A_598, %swap3A_599], %transpose3A_597 {strides = array<i32>} : memref<8192x128xf32, #tpu.memory_space<vmem>>, vector<128x128xf32>,
    %slice3A_601 = vector.extract_strided_slice %concatenate3A {offsets = [0, 5888], sizes = [16, 128], strides = [1, 1]} : vector<16x65536xf32> to vector<16x128xf32>
    %slice3A_602 = vector.extract_strided_slice %concatenate3A {offsets = [0, 14080], sizes = [16, 128], strides = [1, 1]} : vector<16x65536xf32> to vector<16x128xf32>
    %slice3A_603 = vector.extract_strided_slice %concatenate3A {offsets = [0, 22272], sizes = [16, 128], strides = [1, 1]} : vector<16x65536xf32> to vector<16x128xf32>
    %slice3A_604 = vector.extract_strided_slice %concatenate3A {offsets = [0, 30464], sizes = [16, 128], strides = [1, 1]} : vector<16x65536xf32> to vector<16x128xf32>
    %slice3A_605 = vector.extract_strided_slice %concatenate3A {offsets = [0, 38656], sizes = [16, 128], strides = [1, 1]} : vector<16x65536xf32> to vector<16x128xf32>
    %slice3A_606 = vector.extract_strided_slice %concatenate3A {offsets = [0, 46848], sizes = [16, 128], strides = [1, 1]} : vector<16x65536xf32> to vector<16x128xf32>
    %slice3A_607 = vector.extract_strided_slice %concatenate3A {offsets = [0, 55040], sizes = [16, 128], strides = [1, 1]} : vector<16x65536xf32> to vector<16x128xf32>
    %slice3A_608 = vector.extract_strided_slice %concatenate3A {offsets = [0, 63232], sizes = [16, 128], strides = [1, 1]} : vector<16x65536xf32> to vector<16x128xf32>
    %concatenate3A_609 = tpu.concatenate %slice3A_601, %slice3A_602, %slice3A_603, %slice3A_604, %slice3A_605, %slice3A_606, %slice3A_607, %slice3A_608 in 0 : vector<16x128xf32>, vector<16x128xf32>, vector<16x128xf32>, vector<16x128xf32>, vector<16x128xf32>, vector<16x128xf32>, vector<16x128xf32>, vector<16x128xf32> -> vector<128x128xf32>
    %transpose3A_610 = tpu.transpose %concatenate3A_609, [1, 0] : vector<128x128xf32> -> vector<128x128xf32>
    %swap3A_611 = arith.constant 5888 : index
    %swap3A_612 = arith.constant 0 : index
    %swap3A_613 = vector.load %arg3[%swap3A_611, %swap3A_612] : memref<8192x128xf32, #tpu.memory_space<vmem>>, vector<128x128xf32>
    tpu.vector_store %arg3[%swap3A_611, %swap3A_612], %transpose3A_610 {strides = array<i32>} : memref<8192x128xf32, #tpu.memory_space<vmem>>, vector<128x128xf32>,
    %slice3A_614 = vector.extract_strided_slice %concatenate3A {offsets = [0, 6016], sizes = [16, 128], strides = [1, 1]} : vector<16x65536xf32> to vector<16x128xf32>
    %slice3A_615 = vector.extract_strided_slice %concatenate3A {offsets = [0, 14208], sizes = [16, 128], strides = [1, 1]} : vector<16x65536xf32> to vector<16x128xf32>
    %slice3A_616 = vector.extract_strided_slice %concatenate3A {offsets = [0, 22400], sizes = [16, 128], strides = [1, 1]} : vector<16x65536xf32> to vector<16x128xf32>
    %slice3A_617 = vector.extract_strided_slice %concatenate3A {offsets = [0, 30592], sizes = [16, 128], strides = [1, 1]} : vector<16x65536xf32> to vector<16x128xf32>
    %slice3A_618 = vector.extract_strided_slice %concatenate3A {offsets = [0, 38784], sizes = [16, 128], strides = [1, 1]} : vector<16x65536xf32> to vector<16x128xf32>
    %slice3A_619 = vector.extract_strided_slice %concatenate3A {offsets = [0, 46976], sizes = [16, 128], strides = [1, 1]} : vector<16x65536xf32> to vector<16x128xf32>
    %slice3A_620 = vector.extract_strided_slice %concatenate3A {offsets = [0, 55168], sizes = [16, 128], strides = [1, 1]} : vector<16x65536xf32> to vector<16x128xf32>
    %slice3A_621 = vector.extract_strided_slice %concatenate3A {offsets = [0, 63360], sizes = [16, 128], strides = [1, 1]} : vector<16x65536xf32> to vector<16x128xf32>
    %concatenate3A_622 = tpu.concatenate %slice3A_614, %slice3A_615, %slice3A_616, %slice3A_617, %slice3A_618, %slice3A_619, %slice3A_620, %slice3A_621 in 0 : vector<16x128xf32>, vector<16x128xf32>, vector<16x128xf32>, vector<16x128xf32>, vector<16x128xf32>, vector<16x128xf32>, vector<16x128xf32>, vector<16x128xf32> -> vector<128x128xf32>
    %transpose3A_623 = tpu.transpose %concatenate3A_622, [1, 0] : vector<128x128xf32> -> vector<128x128xf32>
    %swap3A_624 = arith.constant 6016 : index
    %swap3A_625 = arith.constant 0 : index
    %swap3A_626 = vector.load %arg3[%swap3A_624, %swap3A_625] : memref<8192x128xf32, #tpu.memory_space<vmem>>, vector<128x128xf32>
    tpu.vector_store %arg3[%swap3A_624, %swap3A_625], %transpose3A_623 {strides = array<i32>} : memref<8192x128xf32, #tpu.memory_space<vmem>>, vector<128x128xf32>,
    %slice3A_627 = vector.extract_strided_slice %concatenate3A {offsets = [0, 6144], sizes = [16, 128], strides = [1, 1]} : vector<16x65536xf32> to vector<16x128xf32>
    %slice3A_628 = vector.extract_strided_slice %concatenate3A {offsets = [0, 14336], sizes = [16, 128], strides = [1, 1]} : vector<16x65536xf32> to vector<16x128xf32>
    %slice3A_629 = vector.extract_strided_slice %concatenate3A {offsets = [0, 22528], sizes = [16, 128], strides = [1, 1]} : vector<16x65536xf32> to vector<16x128xf32>
    %slice3A_630 = vector.extract_strided_slice %concatenate3A {offsets = [0, 30720], sizes = [16, 128], strides = [1, 1]} : vector<16x65536xf32> to vector<16x128xf32>
    %slice3A_631 = vector.extract_strided_slice %concatenate3A {offsets = [0, 38912], sizes = [16, 128], strides = [1, 1]} : vector<16x65536xf32> to vector<16x128xf32>
    %slice3A_632 = vector.extract_strided_slice %concatenate3A {offsets = [0, 47104], sizes = [16, 128], strides = [1, 1]} : vector<16x65536xf32> to vector<16x128xf32>
    %slice3A_633 = vector.extract_strided_slice %concatenate3A {offsets = [0, 55296], sizes = [16, 128], strides = [1, 1]} : vector<16x65536xf32> to vector<16x128xf32>
    %slice3A_634 = vector.extract_strided_slice %concatenate3A {offsets = [0, 63488], sizes = [16, 128], strides = [1, 1]} : vector<16x65536xf32> to vector<16x128xf32>
    %concatenate3A_635 = tpu.concatenate %slice3A_627, %slice3A_628, %slice3A_629, %slice3A_630, %slice3A_631, %slice3A_632, %slice3A_633, %slice3A_634 in 0 : vector<16x128xf32>, vector<16x128xf32>, vector<16x128xf32>, vector<16x128xf32>, vector<16x128xf32>, vector<16x128xf32>, vector<16x128xf32>, vector<16x128xf32> -> vector<128x128xf32>
    %transpose3A_636 = tpu.transpose %concatenate3A_635, [1, 0] : vector<128x128xf32> -> vector<128x128xf32>
    %swap3A_637 = arith.constant 6144 : index
    %swap3A_638 = arith.constant 0 : index
    %swap3A_639 = vector.load %arg3[%swap3A_637, %swap3A_638] : memref<8192x128xf32, #tpu.memory_space<vmem>>, vector<128x128xf32>
    tpu.vector_store %arg3[%swap3A_637, %swap3A_638], %transpose3A_636 {strides = array<i32>} : memref<8192x128xf32, #tpu.memory_space<vmem>>, vector<128x128xf32>,
    %slice3A_640 = vector.extract_strided_slice %concatenate3A {offsets = [0, 6272], sizes = [16, 128], strides = [1, 1]} : vector<16x65536xf32> to vector<16x128xf32>
    %slice3A_641 = vector.extract_strided_slice %concatenate3A {offsets = [0, 14464], sizes = [16, 128], strides = [1, 1]} : vector<16x65536xf32> to vector<16x128xf32>
    %slice3A_642 = vector.extract_strided_slice %concatenate3A {offsets = [0, 22656], sizes = [16, 128], strides = [1, 1]} : vector<16x65536xf32> to vector<16x128xf32>
    %slice3A_643 = vector.extract_strided_slice %concatenate3A {offsets = [0, 30848], sizes = [16, 128], strides = [1, 1]} : vector<16x65536xf32> to vector<16x128xf32>
    %slice3A_644 = vector.extract_strided_slice %concatenate3A {offsets = [0, 39040], sizes = [16, 128], strides = [1, 1]} : vector<16x65536xf32> to vector<16x128xf32>
    %slice3A_645 = vector.extract_strided_slice %concatenate3A {offsets = [0, 47232], sizes = [16, 128], strides = [1, 1]} : vector<16x65536xf32> to vector<16x128xf32>
    %slice3A_646 = vector.extract_strided_slice %concatenate3A {offsets = [0, 55424], sizes = [16, 128], strides = [1, 1]} : vector<16x65536xf32> to vector<16x128xf32>
    %slice3A_647 = vector.extract_strided_slice %concatenate3A {offsets = [0, 63616], sizes = [16, 128], strides = [1, 1]} : vector<16x65536xf32> to vector<16x128xf32>
    %concatenate3A_648 = tpu.concatenate %slice3A_640, %slice3A_641, %slice3A_642, %slice3A_643, %slice3A_644, %slice3A_645, %slice3A_646, %slice3A_647 in 0 : vector<16x128xf32>, vector<16x128xf32>, vector<16x128xf32>, vector<16x128xf32>, vector<16x128xf32>, vector<16x128xf32>, vector<16x128xf32>, vector<16x128xf32> -> vector<128x128xf32>
    %transpose3A_649 = tpu.transpose %concatenate3A_648, [1, 0] : vector<128x128xf32> -> vector<128x128xf32>
    %swap3A_650 = arith.constant 6272 : index
    %swap3A_651 = arith.constant 0 : index
    %swap3A_652 = vector.load %arg3[%swap3A_650, %swap3A_651] : memref<8192x128xf32, #tpu.memory_space<vmem>>, vector<128x128xf32>
    tpu.vector_store %arg3[%swap3A_650, %swap3A_651], %transpose3A_649 {strides = array<i32>} : memref<8192x128xf32, #tpu.memory_space<vmem>>, vector<128x128xf32>,
    %slice3A_653 = vector.extract_strided_slice %concatenate3A {offsets = [0, 6400], sizes = [16, 128], strides = [1, 1]} : vector<16x65536xf32> to vector<16x128xf32>
    %slice3A_654 = vector.extract_strided_slice %concatenate3A {offsets = [0, 14592], sizes = [16, 128], strides = [1, 1]} : vector<16x65536xf32> to vector<16x128xf32>
    %slice3A_655 = vector.extract_strided_slice %concatenate3A {offsets = [0, 22784], sizes = [16, 128], strides = [1, 1]} : vector<16x65536xf32> to vector<16x128xf32>
    %slice3A_656 = vector.extract_strided_slice %concatenate3A {offsets = [0, 30976], sizes = [16, 128], strides = [1, 1]} : vector<16x65536xf32> to vector<16x128xf32>
    %slice3A_657 = vector.extract_strided_slice %concatenate3A {offsets = [0, 39168], sizes = [16, 128], strides = [1, 1]} : vector<16x65536xf32> to vector<16x128xf32>
    %slice3A_658 = vector.extract_strided_slice %concatenate3A {offsets = [0, 47360], sizes = [16, 128], strides = [1, 1]} : vector<16x65536xf32> to vector<16x128xf32>
    %slice3A_659 = vector.extract_strided_slice %concatenate3A {offsets = [0, 55552], sizes = [16, 128], strides = [1, 1]} : vector<16x65536xf32> to vector<16x128xf32>
    %slice3A_660 = vector.extract_strided_slice %concatenate3A {offsets = [0, 63744], sizes = [16, 128], strides = [1, 1]} : vector<16x65536xf32> to vector<16x128xf32>
    %concatenate3A_661 = tpu.concatenate %slice3A_653, %slice3A_654, %slice3A_655, %slice3A_656, %slice3A_657, %slice3A_658, %slice3A_659, %slice3A_660 in 0 : vector<16x128xf32>, vector<16x128xf32>, vector<16x128xf32>, vector<16x128xf32>, vector<16x128xf32>, vector<16x128xf32>, vector<16x128xf32>, vector<16x128xf32> -> vector<128x128xf32>
    %transpose3A_662 = tpu.transpose %concatenate3A_661, [1, 0] : vector<128x128xf32> -> vector<128x128xf32>
    %swap3A_663 = arith.constant 6400 : index
    %swap3A_664 = arith.constant 0 : index
    %swap3A_665 = vector.load %arg3[%swap3A_663, %swap3A_664] : memref<8192x128xf32, #tpu.memory_space<vmem>>, vector<128x128xf32>
    tpu.vector_store %arg3[%swap3A_663, %swap3A_664], %transpose3A_662 {strides = array<i32>} : memref<8192x128xf32, #tpu.memory_space<vmem>>, vector<128x128xf32>,
    %slice3A_666 = vector.extract_strided_slice %concatenate3A {offsets = [0, 6528], sizes = [16, 128], strides = [1, 1]} : vector<16x65536xf32> to vector<16x128xf32>
    %slice3A_667 = vector.extract_strided_slice %concatenate3A {offsets = [0, 14720], sizes = [16, 128], strides = [1, 1]} : vector<16x65536xf32> to vector<16x128xf32>
    %slice3A_668 = vector.extract_strided_slice %concatenate3A {offsets = [0, 22912], sizes = [16, 128], strides = [1, 1]} : vector<16x65536xf32> to vector<16x128xf32>
    %slice3A_669 = vector.extract_strided_slice %concatenate3A {offsets = [0, 31104], sizes = [16, 128], strides = [1, 1]} : vector<16x65536xf32> to vector<16x128xf32>
    %slice3A_670 = vector.extract_strided_slice %concatenate3A {offsets = [0, 39296], sizes = [16, 128], strides = [1, 1]} : vector<16x65536xf32> to vector<16x128xf32>
    %slice3A_671 = vector.extract_strided_slice %concatenate3A {offsets = [0, 47488], sizes = [16, 128], strides = [1, 1]} : vector<16x65536xf32> to vector<16x128xf32>
    %slice3A_672 = vector.extract_strided_slice %concatenate3A {offsets = [0, 55680], sizes = [16, 128], strides = [1, 1]} : vector<16x65536xf32> to vector<16x128xf32>
    %slice3A_673 = vector.extract_strided_slice %concatenate3A {offsets = [0, 63872], sizes = [16, 128], strides = [1, 1]} : vector<16x65536xf32> to vector<16x128xf32>
    %concatenate3A_674 = tpu.concatenate %slice3A_666, %slice3A_667, %slice3A_668, %slice3A_669, %slice3A_670, %slice3A_671, %slice3A_672, %slice3A_673 in 0 : vector<16x128xf32>, vector<16x128xf32>, vector<16x128xf32>, vector<16x128xf32>, vector<16x128xf32>, vector<16x128xf32>, vector<16x128xf32>, vector<16x128xf32> -> vector<128x128xf32>
    %transpose3A_675 = tpu.transpose %concatenate3A_674, [1, 0] : vector<128x128xf32> -> vector<128x128xf32>
    %swap3A_676 = arith.constant 6528 : index
    %swap3A_677 = arith.constant 0 : index
    %swap3A_678 = vector.load %arg3[%swap3A_676, %swap3A_677] : memref<8192x128xf32, #tpu.memory_space<vmem>>, vector<128x128xf32>
    tpu.vector_store %arg3[%swap3A_676, %swap3A_677], %transpose3A_675 {strides = array<i32>} : memref<8192x128xf32, #tpu.memory_space<vmem>>, vector<128x128xf32>,
    %slice3A_679 = vector.extract_strided_slice %concatenate3A {offsets = [0, 6656], sizes = [16, 128], strides = [1, 1]} : vector<16x65536xf32> to vector<16x128xf32>
    %slice3A_680 = vector.extract_strided_slice %concatenate3A {offsets = [0, 14848], sizes = [16, 128], strides = [1, 1]} : vector<16x65536xf32> to vector<16x128xf32>
    %slice3A_681 = vector.extract_strided_slice %concatenate3A {offsets = [0, 23040], sizes = [16, 128], strides = [1, 1]} : vector<16x65536xf32> to vector<16x128xf32>
    %slice3A_682 = vector.extract_strided_slice %concatenate3A {offsets = [0, 31232], sizes = [16, 128], strides = [1, 1]} : vector<16x65536xf32> to vector<16x128xf32>
    %slice3A_683 = vector.extract_strided_slice %concatenate3A {offsets = [0, 39424], sizes = [16, 128], strides = [1, 1]} : vector<16x65536xf32> to vector<16x128xf32>
    %slice3A_684 = vector.extract_strided_slice %concatenate3A {offsets = [0, 47616], sizes = [16, 128], strides = [1, 1]} : vector<16x65536xf32> to vector<16x128xf32>
    %slice3A_685 = vector.extract_strided_slice %concatenate3A {offsets = [0, 55808], sizes = [16, 128], strides = [1, 1]} : vector<16x65536xf32> to vector<16x128xf32>
    %slice3A_686 = vector.extract_strided_slice %concatenate3A {offsets = [0, 64000], sizes = [16, 128], strides = [1, 1]} : vector<16x65536xf32> to vector<16x128xf32>
    %concatenate3A_687 = tpu.concatenate %slice3A_679, %slice3A_680, %slice3A_681, %slice3A_682, %slice3A_683, %slice3A_684, %slice3A_685, %slice3A_686 in 0 : vector<16x128xf32>, vector<16x128xf32>, vector<16x128xf32>, vector<16x128xf32>, vector<16x128xf32>, vector<16x128xf32>, vector<16x128xf32>, vector<16x128xf32> -> vector<128x128xf32>
    %transpose3A_688 = tpu.transpose %concatenate3A_687, [1, 0] : vector<128x128xf32> -> vector<128x128xf32>
    %swap3A_689 = arith.constant 6656 : index
    %swap3A_690 = arith.constant 0 : index
    %swap3A_691 = vector.load %arg3[%swap3A_689, %swap3A_690] : memref<8192x128xf32, #tpu.memory_space<vmem>>, vector<128x128xf32>
    tpu.vector_store %arg3[%swap3A_689, %swap3A_690], %transpose3A_688 {strides = array<i32>} : memref<8192x128xf32, #tpu.memory_space<vmem>>, vector<128x128xf32>,
    %slice3A_692 = vector.extract_strided_slice %concatenate3A {offsets = [0, 6784], sizes = [16, 128], strides = [1, 1]} : vector<16x65536xf32> to vector<16x128xf32>
    %slice3A_693 = vector.extract_strided_slice %concatenate3A {offsets = [0, 14976], sizes = [16, 128], strides = [1, 1]} : vector<16x65536xf32> to vector<16x128xf32>
    %slice3A_694 = vector.extract_strided_slice %concatenate3A {offsets = [0, 23168], sizes = [16, 128], strides = [1, 1]} : vector<16x65536xf32> to vector<16x128xf32>
    %slice3A_695 = vector.extract_strided_slice %concatenate3A {offsets = [0, 31360], sizes = [16, 128], strides = [1, 1]} : vector<16x65536xf32> to vector<16x128xf32>
    %slice3A_696 = vector.extract_strided_slice %concatenate3A {offsets = [0, 39552], sizes = [16, 128], strides = [1, 1]} : vector<16x65536xf32> to vector<16x128xf32>
    %slice3A_697 = vector.extract_strided_slice %concatenate3A {offsets = [0, 47744], sizes = [16, 128], strides = [1, 1]} : vector<16x65536xf32> to vector<16x128xf32>
    %slice3A_698 = vector.extract_strided_slice %concatenate3A {offsets = [0, 55936], sizes = [16, 128], strides = [1, 1]} : vector<16x65536xf32> to vector<16x128xf32>
    %slice3A_699 = vector.extract_strided_slice %concatenate3A {offsets = [0, 64128], sizes = [16, 128], strides = [1, 1]} : vector<16x65536xf32> to vector<16x128xf32>
    %concatenate3A_700 = tpu.concatenate %slice3A_692, %slice3A_693, %slice3A_694, %slice3A_695, %slice3A_696, %slice3A_697, %slice3A_698, %slice3A_699 in 0 : vector<16x128xf32>, vector<16x128xf32>, vector<16x128xf32>, vector<16x128xf32>, vector<16x128xf32>, vector<16x128xf32>, vector<16x128xf32>, vector<16x128xf32> -> vector<128x128xf32>
    %transpose3A_701 = tpu.transpose %concatenate3A_700, [1, 0] : vector<128x128xf32> -> vector<128x128xf32>
    %swap3A_702 = arith.constant 6784 : index
    %swap3A_703 = arith.constant 0 : index
    %swap3A_704 = vector.load %arg3[%swap3A_702, %swap3A_703] : memref<8192x128xf32, #tpu.memory_space<vmem>>, vector<128x128xf32>
    tpu.vector_store %arg3[%swap3A_702, %swap3A_703], %transpose3A_701 {strides = array<i32>} : memref<8192x128xf32, #tpu.memory_space<vmem>>, vector<128x128xf32>,
    %slice3A_705 = vector.extract_strided_slice %concatenate3A {offsets = [0, 6912], sizes = [16, 128], strides = [1, 1]} : vector<16x65536xf32> to vector<16x128xf32>
    %slice3A_706 = vector.extract_strided_slice %concatenate3A {offsets = [0, 15104], sizes = [16, 128], strides = [1, 1]} : vector<16x65536xf32> to vector<16x128xf32>
    %slice3A_707 = vector.extract_strided_slice %concatenate3A {offsets = [0, 23296], sizes = [16, 128], strides = [1, 1]} : vector<16x65536xf32> to vector<16x128xf32>
    %slice3A_708 = vector.extract_strided_slice %concatenate3A {offsets = [0, 31488], sizes = [16, 128], strides = [1, 1]} : vector<16x65536xf32> to vector<16x128xf32>
    %slice3A_709 = vector.extract_strided_slice %concatenate3A {offsets = [0, 39680], sizes = [16, 128], strides = [1, 1]} : vector<16x65536xf32> to vector<16x128xf32>
    %slice3A_710 = vector.extract_strided_slice %concatenate3A {offsets = [0, 47872], sizes = [16, 128], strides = [1, 1]} : vector<16x65536xf32> to vector<16x128xf32>
    %slice3A_711 = vector.extract_strided_slice %concatenate3A {offsets = [0, 56064], sizes = [16, 128], strides = [1, 1]} : vector<16x65536xf32> to vector<16x128xf32>
    %slice3A_712 = vector.extract_strided_slice %concatenate3A {offsets = [0, 64256], sizes = [16, 128], strides = [1, 1]} : vector<16x65536xf32> to vector<16x128xf32>
    %concatenate3A_713 = tpu.concatenate %slice3A_705, %slice3A_706, %slice3A_707, %slice3A_708, %slice3A_709, %slice3A_710, %slice3A_711, %slice3A_712 in 0 : vector<16x128xf32>, vector<16x128xf32>, vector<16x128xf32>, vector<16x128xf32>, vector<16x128xf32>, vector<16x128xf32>, vector<16x128xf32>, vector<16x128xf32> -> vector<128x128xf32>
    %transpose3A_714 = tpu.transpose %concatenate3A_713, [1, 0] : vector<128x128xf32> -> vector<128x128xf32>
    %swap3A_715 = arith.constant 6912 : index
    %swap3A_716 = arith.constant 0 : index
    %swap3A_717 = vector.load %arg3[%swap3A_715, %swap3A_716] : memref<8192x128xf32, #tpu.memory_space<vmem>>, vector<128x128xf32>
    tpu.vector_store %arg3[%swap3A_715, %swap3A_716], %transpose3A_714 {strides = array<i32>} : memref<8192x128xf32, #tpu.memory_space<vmem>>, vector<128x128xf32>,
    %slice3A_718 = vector.extract_strided_slice %concatenate3A {offsets = [0, 7040], sizes = [16, 128], strides = [1, 1]} : vector<16x65536xf32> to vector<16x128xf32>
    %slice3A_719 = vector.extract_strided_slice %concatenate3A {offsets = [0, 15232], sizes = [16, 128], strides = [1, 1]} : vector<16x65536xf32> to vector<16x128xf32>
    %slice3A_720 = vector.extract_strided_slice %concatenate3A {offsets = [0, 23424], sizes = [16, 128], strides = [1, 1]} : vector<16x65536xf32> to vector<16x128xf32>
    %slice3A_721 = vector.extract_strided_slice %concatenate3A {offsets = [0, 31616], sizes = [16, 128], strides = [1, 1]} : vector<16x65536xf32> to vector<16x128xf32>
    %slice3A_722 = vector.extract_strided_slice %concatenate3A {offsets = [0, 39808], sizes = [16, 128], strides = [1, 1]} : vector<16x65536xf32> to vector<16x128xf32>
    %slice3A_723 = vector.extract_strided_slice %concatenate3A {offsets = [0, 48000], sizes = [16, 128], strides = [1, 1]} : vector<16x65536xf32> to vector<16x128xf32>
    %slice3A_724 = vector.extract_strided_slice %concatenate3A {offsets = [0, 56192], sizes = [16, 128], strides = [1, 1]} : vector<16x65536xf32> to vector<16x128xf32>
    %slice3A_725 = vector.extract_strided_slice %concatenate3A {offsets = [0, 64384], sizes = [16, 128], strides = [1, 1]} : vector<16x65536xf32> to vector<16x128xf32>
    %concatenate3A_726 = tpu.concatenate %slice3A_718, %slice3A_719, %slice3A_720, %slice3A_721, %slice3A_722, %slice3A_723, %slice3A_724, %slice3A_725 in 0 : vector<16x128xf32>, vector<16x128xf32>, vector<16x128xf32>, vector<16x128xf32>, vector<16x128xf32>, vector<16x128xf32>, vector<16x128xf32>, vector<16x128xf32> -> vector<128x128xf32>
    %transpose3A_727 = tpu.transpose %concatenate3A_726, [1, 0] : vector<128x128xf32> -> vector<128x128xf32>
    %swap3A_728 = arith.constant 7040 : index
    %swap3A_729 = arith.constant 0 : index
    %swap3A_730 = vector.load %arg3[%swap3A_728, %swap3A_729] : memref<8192x128xf32, #tpu.memory_space<vmem>>, vector<128x128xf32>
    tpu.vector_store %arg3[%swap3A_728, %swap3A_729], %transpose3A_727 {strides = array<i32>} : memref<8192x128xf32, #tpu.memory_space<vmem>>, vector<128x128xf32>,
    %slice3A_731 = vector.extract_strided_slice %concatenate3A {offsets = [0, 7168], sizes = [16, 128], strides = [1, 1]} : vector<16x65536xf32> to vector<16x128xf32>
    %slice3A_732 = vector.extract_strided_slice %concatenate3A {offsets = [0, 15360], sizes = [16, 128], strides = [1, 1]} : vector<16x65536xf32> to vector<16x128xf32>
    %slice3A_733 = vector.extract_strided_slice %concatenate3A {offsets = [0, 23552], sizes = [16, 128], strides = [1, 1]} : vector<16x65536xf32> to vector<16x128xf32>
    %slice3A_734 = vector.extract_strided_slice %concatenate3A {offsets = [0, 31744], sizes = [16, 128], strides = [1, 1]} : vector<16x65536xf32> to vector<16x128xf32>
    %slice3A_735 = vector.extract_strided_slice %concatenate3A {offsets = [0, 39936], sizes = [16, 128], strides = [1, 1]} : vector<16x65536xf32> to vector<16x128xf32>
    %slice3A_736 = vector.extract_strided_slice %concatenate3A {offsets = [0, 48128], sizes = [16, 128], strides = [1, 1]} : vector<16x65536xf32> to vector<16x128xf32>
    %slice3A_737 = vector.extract_strided_slice %concatenate3A {offsets = [0, 56320], sizes = [16, 128], strides = [1, 1]} : vector<16x65536xf32> to vector<16x128xf32>
    %slice3A_738 = vector.extract_strided_slice %concatenate3A {offsets = [0, 64512], sizes = [16, 128], strides = [1, 1]} : vector<16x65536xf32> to vector<16x128xf32>
    %concatenate3A_739 = tpu.concatenate %slice3A_731, %slice3A_732, %slice3A_733, %slice3A_734, %slice3A_735, %slice3A_736, %slice3A_737, %slice3A_738 in 0 : vector<16x128xf32>, vector<16x128xf32>, vector<16x128xf32>, vector<16x128xf32>, vector<16x128xf32>, vector<16x128xf32>, vector<16x128xf32>, vector<16x128xf32> -> vector<128x128xf32>
    %transpose3A_740 = tpu.transpose %concatenate3A_739, [1, 0] : vector<128x128xf32> -> vector<128x128xf32>
    %swap3A_741 = arith.constant 7168 : index
    %swap3A_742 = arith.constant 0 : index
    %swap3A_743 = vector.load %arg3[%swap3A_741, %swap3A_742] : memref<8192x128xf32, #tpu.memory_space<vmem>>, vector<128x128xf32>
    tpu.vector_store %arg3[%swap3A_741, %swap3A_742], %transpose3A_740 {strides = array<i32>} : memref<8192x128xf32, #tpu.memory_space<vmem>>, vector<128x128xf32>,
    %slice3A_744 = vector.extract_strided_slice %concatenate3A {offsets = [0, 7296], sizes = [16, 128], strides = [1, 1]} : vector<16x65536xf32> to vector<16x128xf32>
    %slice3A_745 = vector.extract_strided_slice %concatenate3A {offsets = [0, 15488], sizes = [16, 128], strides = [1, 1]} : vector<16x65536xf32> to vector<16x128xf32>
    %slice3A_746 = vector.extract_strided_slice %concatenate3A {offsets = [0, 23680], sizes = [16, 128], strides = [1, 1]} : vector<16x65536xf32> to vector<16x128xf32>
    %slice3A_747 = vector.extract_strided_slice %concatenate3A {offsets = [0, 31872], sizes = [16, 128], strides = [1, 1]} : vector<16x65536xf32> to vector<16x128xf32>
    %slice3A_748 = vector.extract_strided_slice %concatenate3A {offsets = [0, 40064], sizes = [16, 128], strides = [1, 1]} : vector<16x65536xf32> to vector<16x128xf32>
    %slice3A_749 = vector.extract_strided_slice %concatenate3A {offsets = [0, 48256], sizes = [16, 128], strides = [1, 1]} : vector<16x65536xf32> to vector<16x128xf32>
    %slice3A_750 = vector.extract_strided_slice %concatenate3A {offsets = [0, 56448], sizes = [16, 128], strides = [1, 1]} : vector<16x65536xf32> to vector<16x128xf32>
    %slice3A_751 = vector.extract_strided_slice %concatenate3A {offsets = [0, 64640], sizes = [16, 128], strides = [1, 1]} : vector<16x65536xf32> to vector<16x128xf32>
    %concatenate3A_752 = tpu.concatenate %slice3A_744, %slice3A_745, %slice3A_746, %slice3A_747, %slice3A_748, %slice3A_749, %slice3A_750, %slice3A_751 in 0 : vector<16x128xf32>, vector<16x128xf32>, vector<16x128xf32>, vector<16x128xf32>, vector<16x128xf32>, vector<16x128xf32>, vector<16x128xf32>, vector<16x128xf32> -> vector<128x128xf32>
    %transpose3A_753 = tpu.transpose %concatenate3A_752, [1, 0] : vector<128x128xf32> -> vector<128x128xf32>
    %swap3A_754 = arith.constant 7296 : index
    %swap3A_755 = arith.constant 0 : index
    %swap3A_756 = vector.load %arg3[%swap3A_754, %swap3A_755] : memref<8192x128xf32, #tpu.memory_space<vmem>>, vector<128x128xf32>
    tpu.vector_store %arg3[%swap3A_754, %swap3A_755], %transpose3A_753 {strides = array<i32>} : memref<8192x128xf32, #tpu.memory_space<vmem>>, vector<128x128xf32>,
    %slice3A_757 = vector.extract_strided_slice %concatenate3A {offsets = [0, 7424], sizes = [16, 128], strides = [1, 1]} : vector<16x65536xf32> to vector<16x128xf32>
    %slice3A_758 = vector.extract_strided_slice %concatenate3A {offsets = [0, 15616], sizes = [16, 128], strides = [1, 1]} : vector<16x65536xf32> to vector<16x128xf32>
    %slice3A_759 = vector.extract_strided_slice %concatenate3A {offsets = [0, 23808], sizes = [16, 128], strides = [1, 1]} : vector<16x65536xf32> to vector<16x128xf32>
    %slice3A_760 = vector.extract_strided_slice %concatenate3A {offsets = [0, 32000], sizes = [16, 128], strides = [1, 1]} : vector<16x65536xf32> to vector<16x128xf32>
    %slice3A_761 = vector.extract_strided_slice %concatenate3A {offsets = [0, 40192], sizes = [16, 128], strides = [1, 1]} : vector<16x65536xf32> to vector<16x128xf32>
    %slice3A_762 = vector.extract_strided_slice %concatenate3A {offsets = [0, 48384], sizes = [16, 128], strides = [1, 1]} : vector<16x65536xf32> to vector<16x128xf32>
    %slice3A_763 = vector.extract_strided_slice %concatenate3A {offsets = [0, 56576], sizes = [16, 128], strides = [1, 1]} : vector<16x65536xf32> to vector<16x128xf32>
    %slice3A_764 = vector.extract_strided_slice %concatenate3A {offsets = [0, 64768], sizes = [16, 128], strides = [1, 1]} : vector<16x65536xf32> to vector<16x128xf32>
    %concatenate3A_765 = tpu.concatenate %slice3A_757, %slice3A_758, %slice3A_759, %slice3A_760, %slice3A_761, %slice3A_762, %slice3A_763, %slice3A_764 in 0 : vector<16x128xf32>, vector<16x128xf32>, vector<16x128xf32>, vector<16x128xf32>, vector<16x128xf32>, vector<16x128xf32>, vector<16x128xf32>, vector<16x128xf32> -> vector<128x128xf32>
    %transpose3A_766 = tpu.transpose %concatenate3A_765, [1, 0] : vector<128x128xf32> -> vector<128x128xf32>
    %swap3A_767 = arith.constant 7424 : index
    %swap3A_768 = arith.constant 0 : index
    %swap3A_769 = vector.load %arg3[%swap3A_767, %swap3A_768] : memref<8192x128xf32, #tpu.memory_space<vmem>>, vector<128x128xf32>
    tpu.vector_store %arg3[%swap3A_767, %swap3A_768], %transpose3A_766 {strides = array<i32>} : memref<8192x128xf32, #tpu.memory_space<vmem>>, vector<128x128xf32>,
    %slice3A_770 = vector.extract_strided_slice %concatenate3A {offsets = [0, 7552], sizes = [16, 128], strides = [1, 1]} : vector<16x65536xf32> to vector<16x128xf32>
    %slice3A_771 = vector.extract_strided_slice %concatenate3A {offsets = [0, 15744], sizes = [16, 128], strides = [1, 1]} : vector<16x65536xf32> to vector<16x128xf32>
    %slice3A_772 = vector.extract_strided_slice %concatenate3A {offsets = [0, 23936], sizes = [16, 128], strides = [1, 1]} : vector<16x65536xf32> to vector<16x128xf32>
    %slice3A_773 = vector.extract_strided_slice %concatenate3A {offsets = [0, 32128], sizes = [16, 128], strides = [1, 1]} : vector<16x65536xf32> to vector<16x128xf32>
    %slice3A_774 = vector.extract_strided_slice %concatenate3A {offsets = [0, 40320], sizes = [16, 128], strides = [1, 1]} : vector<16x65536xf32> to vector<16x128xf32>
    %slice3A_775 = vector.extract_strided_slice %concatenate3A {offsets = [0, 48512], sizes = [16, 128], strides = [1, 1]} : vector<16x65536xf32> to vector<16x128xf32>
    %slice3A_776 = vector.extract_strided_slice %concatenate3A {offsets = [0, 56704], sizes = [16, 128], strides = [1, 1]} : vector<16x65536xf32> to vector<16x128xf32>
    %slice3A_777 = vector.extract_strided_slice %concatenate3A {offsets = [0, 64896], sizes = [16, 128], strides = [1, 1]} : vector<16x65536xf32> to vector<16x128xf32>
    %concatenate3A_778 = tpu.concatenate %slice3A_770, %slice3A_771, %slice3A_772, %slice3A_773, %slice3A_774, %slice3A_775, %slice3A_776, %slice3A_777 in 0 : vector<16x128xf32>, vector<16x128xf32>, vector<16x128xf32>, vector<16x128xf32>, vector<16x128xf32>, vector<16x128xf32>, vector<16x128xf32>, vector<16x128xf32> -> vector<128x128xf32>
    %transpose3A_779 = tpu.transpose %concatenate3A_778, [1, 0] : vector<128x128xf32> -> vector<128x128xf32>
    %swap3A_780 = arith.constant 7552 : index
    %swap3A_781 = arith.constant 0 : index
    %swap3A_782 = vector.load %arg3[%swap3A_780, %swap3A_781] : memref<8192x128xf32, #tpu.memory_space<vmem>>, vector<128x128xf32>
    tpu.vector_store %arg3[%swap3A_780, %swap3A_781], %transpose3A_779 {strides = array<i32>} : memref<8192x128xf32, #tpu.memory_space<vmem>>, vector<128x128xf32>,
    %slice3A_783 = vector.extract_strided_slice %concatenate3A {offsets = [0, 7680], sizes = [16, 128], strides = [1, 1]} : vector<16x65536xf32> to vector<16x128xf32>
    %slice3A_784 = vector.extract_strided_slice %concatenate3A {offsets = [0, 15872], sizes = [16, 128], strides = [1, 1]} : vector<16x65536xf32> to vector<16x128xf32>
    %slice3A_785 = vector.extract_strided_slice %concatenate3A {offsets = [0, 24064], sizes = [16, 128], strides = [1, 1]} : vector<16x65536xf32> to vector<16x128xf32>
    %slice3A_786 = vector.extract_strided_slice %concatenate3A {offsets = [0, 32256], sizes = [16, 128], strides = [1, 1]} : vector<16x65536xf32> to vector<16x128xf32>
    %slice3A_787 = vector.extract_strided_slice %concatenate3A {offsets = [0, 40448], sizes = [16, 128], strides = [1, 1]} : vector<16x65536xf32> to vector<16x128xf32>
    %slice3A_788 = vector.extract_strided_slice %concatenate3A {offsets = [0, 48640], sizes = [16, 128], strides = [1, 1]} : vector<16x65536xf32> to vector<16x128xf32>
    %slice3A_789 = vector.extract_strided_slice %concatenate3A {offsets = [0, 56832], sizes = [16, 128], strides = [1, 1]} : vector<16x65536xf32> to vector<16x128xf32>
    %slice3A_790 = vector.extract_strided_slice %concatenate3A {offsets = [0, 65024], sizes = [16, 128], strides = [1, 1]} : vector<16x65536xf32> to vector<16x128xf32>
    %concatenate3A_791 = tpu.concatenate %slice3A_783, %slice3A_784, %slice3A_785, %slice3A_786, %slice3A_787, %slice3A_788, %slice3A_789, %slice3A_790 in 0 : vector<16x128xf32>, vector<16x128xf32>, vector<16x128xf32>, vector<16x128xf32>, vector<16x128xf32>, vector<16x128xf32>, vector<16x128xf32>, vector<16x128xf32> -> vector<128x128xf32>
    %transpose3A_792 = tpu.transpose %concatenate3A_791, [1, 0] : vector<128x128xf32> -> vector<128x128xf32>
    %swap3A_793 = arith.constant 7680 : index
    %swap3A_794 = arith.constant 0 : index
    %swap3A_795 = vector.load %arg3[%swap3A_793, %swap3A_794] : memref<8192x128xf32, #tpu.memory_space<vmem>>, vector<128x128xf32>
    tpu.vector_store %arg3[%swap3A_793, %swap3A_794], %transpose3A_792 {strides = array<i32>} : memref<8192x128xf32, #tpu.memory_space<vmem>>, vector<128x128xf32>,
    %slice3A_796 = vector.extract_strided_slice %concatenate3A {offsets = [0, 7808], sizes = [16, 128], strides = [1, 1]} : vector<16x65536xf32> to vector<16x128xf32>
    %slice3A_797 = vector.extract_strided_slice %concatenate3A {offsets = [0, 16000], sizes = [16, 128], strides = [1, 1]} : vector<16x65536xf32> to vector<16x128xf32>
    %slice3A_798 = vector.extract_strided_slice %concatenate3A {offsets = [0, 24192], sizes = [16, 128], strides = [1, 1]} : vector<16x65536xf32> to vector<16x128xf32>
    %slice3A_799 = vector.extract_strided_slice %concatenate3A {offsets = [0, 32384], sizes = [16, 128], strides = [1, 1]} : vector<16x65536xf32> to vector<16x128xf32>
    %slice3A_800 = vector.extract_strided_slice %concatenate3A {offsets = [0, 40576], sizes = [16, 128], strides = [1, 1]} : vector<16x65536xf32> to vector<16x128xf32>
    %slice3A_801 = vector.extract_strided_slice %concatenate3A {offsets = [0, 48768], sizes = [16, 128], strides = [1, 1]} : vector<16x65536xf32> to vector<16x128xf32>
    %slice3A_802 = vector.extract_strided_slice %concatenate3A {offsets = [0, 56960], sizes = [16, 128], strides = [1, 1]} : vector<16x65536xf32> to vector<16x128xf32>
    %slice3A_803 = vector.extract_strided_slice %concatenate3A {offsets = [0, 65152], sizes = [16, 128], strides = [1, 1]} : vector<16x65536xf32> to vector<16x128xf32>
    %concatenate3A_804 = tpu.concatenate %slice3A_796, %slice3A_797, %slice3A_798, %slice3A_799, %slice3A_800, %slice3A_801, %slice3A_802, %slice3A_803 in 0 : vector<16x128xf32>, vector<16x128xf32>, vector<16x128xf32>, vector<16x128xf32>, vector<16x128xf32>, vector<16x128xf32>, vector<16x128xf32>, vector<16x128xf32> -> vector<128x128xf32>
    %transpose3A_805 = tpu.transpose %concatenate3A_804, [1, 0] : vector<128x128xf32> -> vector<128x128xf32>
    %swap3A_806 = arith.constant 7808 : index
    %swap3A_807 = arith.constant 0 : index
    %swap3A_808 = vector.load %arg3[%swap3A_806, %swap3A_807] : memref<8192x128xf32, #tpu.memory_space<vmem>>, vector<128x128xf32>
    tpu.vector_store %arg3[%swap3A_806, %swap3A_807], %transpose3A_805 {strides = array<i32>} : memref<8192x128xf32, #tpu.memory_space<vmem>>, vector<128x128xf32>,
    %slice3A_809 = vector.extract_strided_slice %concatenate3A {offsets = [0, 7936], sizes = [16, 128], strides = [1, 1]} : vector<16x65536xf32> to vector<16x128xf32>
    %slice3A_810 = vector.extract_strided_slice %concatenate3A {offsets = [0, 16128], sizes = [16, 128], strides = [1, 1]} : vector<16x65536xf32> to vector<16x128xf32>
    %slice3A_811 = vector.extract_strided_slice %concatenate3A {offsets = [0, 24320], sizes = [16, 128], strides = [1, 1]} : vector<16x65536xf32> to vector<16x128xf32>
    %slice3A_812 = vector.extract_strided_slice %concatenate3A {offsets = [0, 32512], sizes = [16, 128], strides = [1, 1]} : vector<16x65536xf32> to vector<16x128xf32>
    %slice3A_813 = vector.extract_strided_slice %concatenate3A {offsets = [0, 40704], sizes = [16, 128], strides = [1, 1]} : vector<16x65536xf32> to vector<16x128xf32>
    %slice3A_814 = vector.extract_strided_slice %concatenate3A {offsets = [0, 48896], sizes = [16, 128], strides = [1, 1]} : vector<16x65536xf32> to vector<16x128xf32>
    %slice3A_815 = vector.extract_strided_slice %concatenate3A {offsets = [0, 57088], sizes = [16, 128], strides = [1, 1]} : vector<16x65536xf32> to vector<16x128xf32>
    %slice3A_816 = vector.extract_strided_slice %concatenate3A {offsets = [0, 65280], sizes = [16, 128], strides = [1, 1]} : vector<16x65536xf32> to vector<16x128xf32>
    %concatenate3A_817 = tpu.concatenate %slice3A_809, %slice3A_810, %slice3A_811, %slice3A_812, %slice3A_813, %slice3A_814, %slice3A_815, %slice3A_816 in 0 : vector<16x128xf32>, vector<16x128xf32>, vector<16x128xf32>, vector<16x128xf32>, vector<16x128xf32>, vector<16x128xf32>, vector<16x128xf32>, vector<16x128xf32> -> vector<128x128xf32>
    %transpose3A_818 = tpu.transpose %concatenate3A_817, [1, 0] : vector<128x128xf32> -> vector<128x128xf32>
    %swap3A_819 = arith.constant 7936 : index
    %swap3A_820 = arith.constant 0 : index
    %swap3A_821 = vector.load %arg3[%swap3A_819, %swap3A_820] : memref<8192x128xf32, #tpu.memory_space<vmem>>, vector<128x128xf32>
    tpu.vector_store %arg3[%swap3A_819, %swap3A_820], %transpose3A_818 {strides = array<i32>} : memref<8192x128xf32, #tpu.memory_space<vmem>>, vector<128x128xf32>,
    %slice3A_822 = vector.extract_strided_slice %concatenate3A {offsets = [0, 8064], sizes = [16, 128], strides = [1, 1]} : vector<16x65536xf32> to vector<16x128xf32>
    %slice3A_823 = vector.extract_strided_slice %concatenate3A {offsets = [0, 16256], sizes = [16, 128], strides = [1, 1]} : vector<16x65536xf32> to vector<16x128xf32>
    %slice3A_824 = vector.extract_strided_slice %concatenate3A {offsets = [0, 24448], sizes = [16, 128], strides = [1, 1]} : vector<16x65536xf32> to vector<16x128xf32>
    %slice3A_825 = vector.extract_strided_slice %concatenate3A {offsets = [0, 32640], sizes = [16, 128], strides = [1, 1]} : vector<16x65536xf32> to vector<16x128xf32>
    %slice3A_826 = vector.extract_strided_slice %concatenate3A {offsets = [0, 40832], sizes = [16, 128], strides = [1, 1]} : vector<16x65536xf32> to vector<16x128xf32>
    %slice3A_827 = vector.extract_strided_slice %concatenate3A {offsets = [0, 49024], sizes = [16, 128], strides = [1, 1]} : vector<16x65536xf32> to vector<16x128xf32>
    %slice3A_828 = vector.extract_strided_slice %concatenate3A {offsets = [0, 57216], sizes = [16, 128], strides = [1, 1]} : vector<16x65536xf32> to vector<16x128xf32>
    %slice3A_829 = vector.extract_strided_slice %concatenate3A {offsets = [0, 65408], sizes = [16, 128], strides = [1, 1]} : vector<16x65536xf32> to vector<16x128xf32>
    %concatenate3A_830 = tpu.concatenate %slice3A_822, %slice3A_823, %slice3A_824, %slice3A_825, %slice3A_826, %slice3A_827, %slice3A_828, %slice3A_829 in 0 : vector<16x128xf32>, vector<16x128xf32>, vector<16x128xf32>, vector<16x128xf32>, vector<16x128xf32>, vector<16x128xf32>, vector<16x128xf32>, vector<16x128xf32> -> vector<128x128xf32>
    %transpose3A_831 = tpu.transpose %concatenate3A_830, [1, 0] : vector<128x128xf32> -> vector<128x128xf32>
    %swap3A_832 = arith.constant 8064 : index
    %swap3A_833 = arith.constant 0 : index
    %swap3A_834 = vector.load %arg3[%swap3A_832, %swap3A_833] : memref<8192x128xf32, #tpu.memory_space<vmem>>, vector<128x128xf32>
    tpu.vector_store %arg3[%swap3A_832, %swap3A_833], %transpose3A_831 {strides = array<i32>} : memref<8192x128xf32, #tpu.memory_space<vmem>>, vector<128x128xf32>,
    return
  }
  func.func @transform_0(%arg0: i32) -> (i32, i32) {
    %c0_i32 = arith.constant 0 : i32
    %c0_i32_0 = arith.constant 0 : i32
    return %c0_i32, %arg0 : i32, i32
  }
  func.func @transform_1(%arg0: i32) -> (i32, i32) {
    %c0_i32 = arith.constant 0 : i32
    %c0_i32_0 = arith.constant 0 : i32
    return %c0_i32, %arg0 : i32, i32
  }
  func.func @transform_2(%arg0: i32) -> (i32, i32) {
    %c0_i32 = arith.constant 0 : i32
    %c0_i32_0 = arith.constant 0 : i32
    return %arg0, %c0_i32 : i32, i32
  }
}

module attributes {stable_mosaic.version = 14 : i64} {
  func.func @_tc_body(%arg0: i32, %arg1: memref<512x128xf32, #tpu.memory_space<vmem>>, %arg2: memref<512x128xf32, #tpu.memory_space<vmem>>, %arg3: memref<512x128xf32, #tpu.memory_space<vmem>>, %arg4: memref<512x128xf32, #tpu.memory_space<vmem>>, %arg5: memref<512x128xf32, #tpu.memory_space<vmem>>, %arg6: memref<640x128xf32, #tpu.memory_space<vmem>>, %arg7: memref<640x400xf32, #tpu.memory_space<vmem>>, %arg8: memref<1x400xf32, #tpu.memory_space<vmem>>, %arg9: memref<400x400xf32, #tpu.memory_space<vmem>>, %arg10: memref<1x400xf32, #tpu.memory_space<vmem>>, %arg11: memref<400x400xf32, #tpu.memory_space<vmem>>, %arg12: memref<1x400xf32, #tpu.memory_space<vmem>>, %arg13: memref<400x1xf32, #tpu.memory_space<vmem>>, %arg14: memref<1x1xf32, #tpu.memory_space<vmem>>, %arg15: memref<512x1xf32, #tpu.memory_space<vmem>>) attributes {dimension_semantics = [#tpu.dimension_semantics<arbitrary>], iteration_bounds = array<i64: 32>, scalar_prefetch = 0 : i64, scratch_operands = 0 : i64, tpu.core_type = #tpu.core_type<tc>, window_params = [{transform_indices = @transform_0, window_bounds = array<i64: 512, 128>}, {transform_indices = @transform_1, window_bounds = array<i64: 512, 128>}, {transform_indices = @transform_2, window_bounds = array<i64: 512, 128>}, {transform_indices = @transform_3, window_bounds = array<i64: 512, 128>}, {transform_indices = @transform_4, window_bounds = array<i64: 512, 128>}, {pipeline_mode = #tpu.pipeline_mode<synchronous>, transform_indices = @transform_5, window_bounds = array<i64: 640, 128>}, {pipeline_mode = #tpu.pipeline_mode<synchronous>, transform_indices = @transform_6, window_bounds = array<i64: 640, 400>}, {pipeline_mode = #tpu.pipeline_mode<synchronous>, transform_indices = @transform_7, window_bounds = array<i64: 1, 400>}, {pipeline_mode = #tpu.pipeline_mode<synchronous>, transform_indices = @transform_8, window_bounds = array<i64: 400, 400>}, {pipeline_mode = #tpu.pipeline_mode<synchronous>, transform_indices = @transform_9, window_bounds = array<i64: 1, 400>}, {pipeline_mode = #tpu.pipeline_mode<synchronous>, transform_indices = @transform_10, window_bounds = array<i64: 400, 400>}, {pipeline_mode = #tpu.pipeline_mode<synchronous>, transform_indices = @transform_11, window_bounds = array<i64: 1, 400>}, {pipeline_mode = #tpu.pipeline_mode<synchronous>, transform_indices = @transform_12, window_bounds = array<i64: 400, 1>}, {pipeline_mode = #tpu.pipeline_mode<synchronous>, transform_indices = @transform_13, window_bounds = array<i64: 1, 1>}, {transform_indices = @transform_14, window_bounds = array<i64: 512, 1>}]} {
    %get3A = arith.constant 0 : index
    %get3A_0 = arith.constant 0 : index
    %get3A_1 = vector.load %arg1[%get3A, %get3A_0] : memref<512x128xf32, #tpu.memory_space<vmem>>, vector<512x128xf32>
    %get3A_2 = arith.constant 0 : index
    %get3A_3 = arith.constant 0 : index
    %get3A_4 = vector.load %arg2[%get3A_2, %get3A_3] : memref<512x128xf32, #tpu.memory_space<vmem>>, vector<512x128xf32>
    %get3A_5 = arith.constant 0 : index
    %get3A_6 = arith.constant 0 : index
    %get3A_7 = vector.load %arg3[%get3A_5, %get3A_6] : memref<512x128xf32, #tpu.memory_space<vmem>>, vector<512x128xf32>
    %get3A_8 = arith.constant 0 : index
    %get3A_9 = arith.constant 0 : index
    %get3A_10 = vector.load %arg4[%get3A_8, %get3A_9] : memref<512x128xf32, #tpu.memory_space<vmem>>, vector<512x128xf32>
    %get3A_11 = arith.constant 0 : index
    %get3A_12 = arith.constant 0 : index
    %get3A_13 = vector.load %arg5[%get3A_11, %get3A_12] : memref<512x128xf32, #tpu.memory_space<vmem>>, vector<512x128xf32>
    %concatenate3A = tpu.concatenate %get3A_1, %get3A_4, %get3A_7, %get3A_10, %get3A_13 in 1 : vector<512x128xf32>, vector<512x128xf32>, vector<512x128xf32>, vector<512x128xf32>, vector<512x128xf32> -> vector<512x640xf32>
    %get3A_14 = arith.constant 0 : index
    %get3A_15 = arith.constant 0 : index
    %get3A_16 = vector.load %arg6[%get3A_14, %get3A_15] : memref<640x128xf32, #tpu.memory_space<vmem>>, vector<640x128xf32>
    %dot_general3A = arith.constant dense<0.000000e+00> : vector<512x128xf32>
    %dot_general3A_17 = tpu.matmul %concatenate3A, %get3A_16, %dot_general3A {dimension_numbers = #tpu.dot_dimension_numbers<[1], [0], [0], [1], [0, 0, 1, 1], [], []>, transpose_lhs_hint = false} : vector<512x640xf32>, vector<640x128xf32>, vector<512x128xf32> -> vector<512x128xf32>
    %mul3A = arith.mulf %concatenate3A, %concatenate3A : vector<512x640xf32>
    %dot_general3A_18 = arith.constant dense<0.000000e+00> : vector<512x128xf32>
    %dot_general3A_19 = tpu.matmul %mul3A, %get3A_16, %dot_general3A_18 {dimension_numbers = #tpu.dot_dimension_numbers<[1], [0], [0], [1], [0, 0, 1, 1], [], []>, transpose_lhs_hint = false} : vector<512x640xf32>, vector<640x128xf32>, vector<512x128xf32> -> vector<512x128xf32>
    %iota3A = tpu.iota {dimensions = array<i32: 1>} : vector<1x128xi32>
    %ne3A = arith.constant 10 : i32
    %ne3A_20 = vector.broadcast %ne3A : i32 to vector<1x128xi32>
    %ne3A_21 = arith.cmpi ne, %iota3A, %ne3A_20 : vector<1x128xi32>
    %convert_element_type3A = arith.extui %ne3A_21 : vector<1x128xi1> to vector<1x128xi32>
    %convert_element_type3A_22 = arith.sitofp %convert_element_type3A : vector<1x128xi32> to vector<1x128xf32>
    %mul3A_23 = arith.mulf %dot_general3A_17, %dot_general3A_17 : vector<512x128xf32>
    %sub3A = arith.subf %mul3A_23, %dot_general3A_19 : vector<512x128xf32>
    %mul3A_24 = vector.broadcast %convert_element_type3A_22 : vector<1x128xf32> to vector<512x128xf32>
    %mul3A_25 = arith.mulf %mul3A_24, %sub3A : vector<512x128xf32>
    %reduce_sum3A = arith.constant dense<0.000000e+00> : vector<512xf32>
    %reduce_sum3A_26 = vector.multi_reduction <add>, %mul3A_25, %reduce_sum3A [1] : vector<512x128xf32> to vector<512xf32>
    %broadcast_in_dim3A = vector.shape_cast %reduce_sum3A_26 : vector<512xf32> to vector<512x1xf32>
    %mul3A_27 = arith.constant 5.000000e-01 : f32
    %mul3A_28 = vector.broadcast %mul3A_27 : f32 to vector<512x1xf32>
    %mul3A_29 = arith.mulf %mul3A_28, %broadcast_in_dim3A : vector<512x1xf32>
    %slice3A = vector.extract_strided_slice %dot_general3A_17 {offsets = [0, 10], sizes = [512, 1], strides = [1, 1]} : vector<512x128xf32> to vector<512x1xf32>
    %add3A = arith.addf %mul3A_29, %slice3A : vector<512x1xf32>
    %get3A_30 = arith.constant 0 : index
    %get3A_31 = arith.constant 0 : index
    %get3A_32 = vector.load %arg7[%get3A_30, %get3A_31] : memref<640x400xf32, #tpu.memory_space<vmem>>, vector<640x400xf32>
    %convert_element_type3A_33 = arith.truncf %concatenate3A : vector<512x640xf32> to vector<512x640xbf16>
    %convert_element_type3A_34 = arith.truncf %get3A_32 : vector<640x400xf32> to vector<640x400xbf16>
    %dot_general3A_35 = arith.constant dense<0.000000e+00> : vector<512x400xf32>
    %dot_general3A_36 = tpu.matmul %convert_element_type3A_33, %convert_element_type3A_34, %dot_general3A_35 {dimension_numbers = #tpu.dot_dimension_numbers<[1], [0], [0], [1], [0, 0, 1, 1], [], []>, transpose_lhs_hint = false} : vector<512x640xbf16>, vector<640x400xbf16>, vector<512x400xf32> -> vector<512x400xf32>
    %get3A_37 = arith.constant 0 : index
    %get3A_38 = arith.constant 0 : index
    %get3A_39 = vector.load %arg8[%get3A_37, %get3A_38] : memref<1x400xf32, #tpu.memory_space<vmem>>, vector<1x400xf32>
    %add3A_40 = vector.broadcast %get3A_39 : vector<1x400xf32> to vector<512x400xf32>
    %add3A_41 = arith.addf %dot_general3A_36, %add3A_40 : vector<512x400xf32>
    %max3A = arith.constant 0.000000e+00 : f32
    %max3A_42 = vector.broadcast %max3A : f32 to vector<512x400xf32>
    %max3A_43 = arith.maximumf %add3A_41, %max3A_42 : vector<512x400xf32>
    %get3A_44 = arith.constant 0 : index
    %get3A_45 = arith.constant 0 : index
    %get3A_46 = vector.load %arg9[%get3A_44, %get3A_45] : memref<400x400xf32, #tpu.memory_space<vmem>>, vector<400x400xf32>
    %convert_element_type3A_47 = arith.truncf %max3A_43 : vector<512x400xf32> to vector<512x400xbf16>
    %convert_element_type3A_48 = arith.truncf %get3A_46 : vector<400x400xf32> to vector<400x400xbf16>
    %dot_general3A_49 = arith.constant dense<0.000000e+00> : vector<512x400xf32>
    %dot_general3A_50 = tpu.matmul %convert_element_type3A_47, %convert_element_type3A_48, %dot_general3A_49 {dimension_numbers = #tpu.dot_dimension_numbers<[1], [0], [0], [1], [0, 0, 1, 1], [], []>, transpose_lhs_hint = false} : vector<512x400xbf16>, vector<400x400xbf16>, vector<512x400xf32> -> vector<512x400xf32>
    %get3A_51 = arith.constant 0 : index
    %get3A_52 = arith.constant 0 : index
    %get3A_53 = vector.load %arg10[%get3A_51, %get3A_52] : memref<1x400xf32, #tpu.memory_space<vmem>>, vector<1x400xf32>
    %add3A_54 = vector.broadcast %get3A_53 : vector<1x400xf32> to vector<512x400xf32>
    %add3A_55 = arith.addf %dot_general3A_50, %add3A_54 : vector<512x400xf32>
    %max3A_56 = arith.constant 0.000000e+00 : f32
    %max3A_57 = vector.broadcast %max3A_56 : f32 to vector<512x400xf32>
    %max3A_58 = arith.maximumf %add3A_55, %max3A_57 : vector<512x400xf32>
    %get3A_59 = arith.constant 0 : index
    %get3A_60 = arith.constant 0 : index
    %get3A_61 = vector.load %arg11[%get3A_59, %get3A_60] : memref<400x400xf32, #tpu.memory_space<vmem>>, vector<400x400xf32>
    %convert_element_type3A_62 = arith.truncf %max3A_58 : vector<512x400xf32> to vector<512x400xbf16>
    %convert_element_type3A_63 = arith.truncf %get3A_61 : vector<400x400xf32> to vector<400x400xbf16>
    %dot_general3A_64 = arith.constant dense<0.000000e+00> : vector<512x400xf32>
    %dot_general3A_65 = tpu.matmul %convert_element_type3A_62, %convert_element_type3A_63, %dot_general3A_64 {dimension_numbers = #tpu.dot_dimension_numbers<[1], [0], [0], [1], [0, 0, 1, 1], [], []>, transpose_lhs_hint = false} : vector<512x400xbf16>, vector<400x400xbf16>, vector<512x400xf32> -> vector<512x400xf32>
    %get3A_66 = arith.constant 0 : index
    %get3A_67 = arith.constant 0 : index
    %get3A_68 = vector.load %arg12[%get3A_66, %get3A_67] : memref<1x400xf32, #tpu.memory_space<vmem>>, vector<1x400xf32>
    %add3A_69 = vector.broadcast %get3A_68 : vector<1x400xf32> to vector<512x400xf32>
    %add3A_70 = arith.addf %dot_general3A_65, %add3A_69 : vector<512x400xf32>
    %max3A_71 = arith.constant 0.000000e+00 : f32
    %max3A_72 = vector.broadcast %max3A_71 : f32 to vector<512x400xf32>
    %max3A_73 = arith.maximumf %add3A_70, %max3A_72 : vector<512x400xf32>
    %get3A_74 = arith.constant 0 : index
    %get3A_75 = arith.constant 0 : index
    %get3A_76 = vector.load %arg13[%get3A_74, %get3A_75] : memref<400x1xf32, #tpu.memory_space<vmem>>, vector<400x1xf32>
    %convert_element_type3A_77 = arith.truncf %max3A_73 : vector<512x400xf32> to vector<512x400xbf16>
    %convert_element_type3A_78 = arith.truncf %get3A_76 : vector<400x1xf32> to vector<400x1xbf16>
    %dot_general3A_79 = arith.constant dense<0.000000e+00> : vector<512x1xf32>
    %dot_general3A_80 = tpu.matmul %convert_element_type3A_77, %convert_element_type3A_78, %dot_general3A_79 {dimension_numbers = #tpu.dot_dimension_numbers<[1], [0], [0], [1], [0, 0, 1, 1], [], []>, transpose_lhs_hint = false} : vector<512x400xbf16>, vector<400x1xbf16>, vector<512x1xf32> -> vector<512x1xf32>
    %get3A_81 = arith.constant 0 : index
    %get3A_82 = arith.constant 0 : index
    %get3A_83 = vector.load %arg14[%get3A_81, %get3A_82] : memref<1x1xf32, #tpu.memory_space<vmem>>, vector<1x1xf32>
    %add3A_84 = vector.broadcast %get3A_83 : vector<1x1xf32> to vector<512x1xf32>
    %add3A_85 = arith.addf %dot_general3A_80, %add3A_84 : vector<512x1xf32>
    %add3A_86 = arith.addf %add3A, %add3A_85 : vector<512x1xf32>
    %logistic3A = arith.negf %add3A_86 : vector<512x1xf32>
    %logistic3A_87 = math.exp %logistic3A : vector<512x1xf32>
    %logistic3A_88 = arith.constant 1.000000e+00 : f32
    %logistic3A_89 = vector.broadcast %logistic3A_88 : f32 to vector<512x1xf32>
    %logistic3A_90 = arith.addf %logistic3A_89, %logistic3A_87 : vector<512x1xf32>
    %logistic3A_91 = arith.divf %logistic3A_89, %logistic3A_90 : vector<512x1xf32>
    %swap3A = arith.constant 0 : index
    %swap3A_92 = arith.constant 0 : index
    %swap3A_93 = vector.load %arg15[%swap3A, %swap3A_92] : memref<512x1xf32, #tpu.memory_space<vmem>>, vector<512x1xf32>
    tpu.vector_store %arg15[%swap3A, %swap3A_92], %logistic3A_91 {strides = array<i32>} : memref<512x1xf32, #tpu.memory_space<vmem>>, vector<512x1xf32>,
    return
  }
  func.func @transform_0(%arg0: i32) -> (i32, i32) {
    %c0_i32 = arith.constant 0 : i32
    %c0_i32_0 = arith.constant 0 : i32
    return %arg0, %c0_i32 : i32, i32
  }
  func.func @transform_1(%arg0: i32) -> (i32, i32) {
    %c0_i32 = arith.constant 0 : i32
    %c0_i32_0 = arith.constant 0 : i32
    return %arg0, %c0_i32 : i32, i32
  }
  func.func @transform_2(%arg0: i32) -> (i32, i32) {
    %c0_i32 = arith.constant 0 : i32
    %c0_i32_0 = arith.constant 0 : i32
    return %arg0, %c0_i32 : i32, i32
  }
  func.func @transform_3(%arg0: i32) -> (i32, i32) {
    %c0_i32 = arith.constant 0 : i32
    %c0_i32_0 = arith.constant 0 : i32
    return %arg0, %c0_i32 : i32, i32
  }
  func.func @transform_4(%arg0: i32) -> (i32, i32) {
    %c0_i32 = arith.constant 0 : i32
    %c0_i32_0 = arith.constant 0 : i32
    return %arg0, %c0_i32 : i32, i32
  }
  func.func @transform_5(%arg0: i32) -> (i32, i32) {
    %c0_i32 = arith.constant 0 : i32
    %c0_i32_0 = arith.constant 0 : i32
    %c0_i32_1 = arith.constant 0 : i32
    return %c0_i32, %c0_i32_0 : i32, i32
  }
  func.func @transform_6(%arg0: i32) -> (i32, i32) {
    %c0_i32 = arith.constant 0 : i32
    %c0_i32_0 = arith.constant 0 : i32
    %c0_i32_1 = arith.constant 0 : i32
    return %c0_i32, %c0_i32_0 : i32, i32
  }
  func.func @transform_7(%arg0: i32) -> (i32, i32) {
    %c0_i32 = arith.constant 0 : i32
    %c0_i32_0 = arith.constant 0 : i32
    %c0_i32_1 = arith.constant 0 : i32
    return %c0_i32, %c0_i32_0 : i32, i32
  }
  func.func @transform_8(%arg0: i32) -> (i32, i32) {
    %c0_i32 = arith.constant 0 : i32
    %c0_i32_0 = arith.constant 0 : i32
    %c0_i32_1 = arith.constant 0 : i32
    return %c0_i32, %c0_i32_0 : i32, i32
  }
  func.func @transform_9(%arg0: i32) -> (i32, i32) {
    %c0_i32 = arith.constant 0 : i32
    %c0_i32_0 = arith.constant 0 : i32
    %c0_i32_1 = arith.constant 0 : i32
    return %c0_i32, %c0_i32_0 : i32, i32
  }
  func.func @transform_10(%arg0: i32) -> (i32, i32) {
    %c0_i32 = arith.constant 0 : i32
    %c0_i32_0 = arith.constant 0 : i32
    %c0_i32_1 = arith.constant 0 : i32
    return %c0_i32, %c0_i32_0 : i32, i32
  }
  func.func @transform_11(%arg0: i32) -> (i32, i32) {
    %c0_i32 = arith.constant 0 : i32
    %c0_i32_0 = arith.constant 0 : i32
    %c0_i32_1 = arith.constant 0 : i32
    return %c0_i32, %c0_i32_0 : i32, i32
  }
  func.func @transform_12(%arg0: i32) -> (i32, i32) {
    %c0_i32 = arith.constant 0 : i32
    %c0_i32_0 = arith.constant 0 : i32
    %c0_i32_1 = arith.constant 0 : i32
    return %c0_i32, %c0_i32_0 : i32, i32
  }
  func.func @transform_13(%arg0: i32) -> (i32, i32) {
    %c0_i32 = arith.constant 0 : i32
    %c0_i32_0 = arith.constant 0 : i32
    %c0_i32_1 = arith.constant 0 : i32
    return %c0_i32, %c0_i32_0 : i32, i32
  }
  func.func @transform_14(%arg0: i32) -> (i32, i32) {
    %c0_i32 = arith.constant 0 : i32
    %c0_i32_0 = arith.constant 0 : i32
    return %arg0, %c0_i32 : i32, i32
  }
}

</mosaic_0001>

<sc_bundles>
// kernel: kernel.5.cloned.1.call-start
scs
__scs_entry_jumppad:
0x0: {  	(pc) =	sbr.rel $0x88, $3  }
0x1: {  	(tag) =	ssettag $0x0;
	lr =	simm.s32 $0x1  }
0x2: {  	[smem:$0x3F96] =	sst lr;
	_ =	strace $0xD0000000  }
0x3: {  	_ = 	snop  }
0x4: {  	_ = 	snop  }
0x5: {  	_ = 	snop  }
0x6: {  	_ = 	snop  }
0x7: {  	_ = 	snop  }
__scs_overlays_trampoline_lowered:
0x8: {  	[smem:$0x3FA5] =	sst s0  }
0x9: {  	[smem:$0x3FA6] =	sst s1  }
0xa: {  	[smem:$0x3FA7] =	sst s2  }
0xb: {  	[smem:$0x3FA8] =	sst s3  }
0xc: {  	[smem:$0x3FA9] =	sst s4  }
0xd: {  	[smem:$0x3FAA] =	sst s5  }
0xe: {  	[smem:$0x3FAB] =	sst s6  }
0xf: {  	[smem:$0x3FAC] =	sst s7  }
0x10: {  	[smem:$0x3FAD] =	sst s8  }
0x11: {  	[smem:$0x3FAE] =	sst s9;
	s0 =	simm.s32 @!p0 $0x0  }
0x12: {  	s1 =	sld [smem:$0x3F94];
	s0 =	simm.s32 @p0 $0x1  }
0x13: {  	[smem:$0x3FAF] =	sst s0;
	s0 =	simm.s32 @!p1 $0x0  }
0x14: {  	s2 =	sld [smem:$0x3F93];
	s0 =	simm.s32 @p1 $0x1  }
0x15: {  	[smem:$0x3FB0] =	sst s0;
	s0 =	simm.s32 @!p2 $0x0  }
0x16: {  	s3 =	sld [smem:$0x3FDB];
	s0 =	simm.s32 @p2 $0x1  }
0x17: {  	s4 =	simm.s32 $0x1BF5;
	[smem:$0x3FB2] =	sst s0  }
0x18: {  	s0 =	sld [smem:$0x3F95];
	_ =	swait.ge [sflag:s4], $0x0  }
0x19: {  	s7 =	sld [smem:$0x3F96]  }
0x1a: {  	s8 =	sadd.s32 $0xFFFFE003, lr  }
0x1b: {  	s9 =	sadd.s32 $0xFFFFFEF7, lr;
	s5 =	simm.s32 $0xFFFFFFFF;
	p2 =	slt.u32 s8, $0xFFFFF086  }
0x1c: {  	p1 =	slt.u32 s9, $0xF7A;
	s5 =	simm.s32 @!p2 $0x0  }
0x1d: {  	s5 =	simm.s32 @p1 $0x1;
	p0 =	seq.s32 s7, s2  }
0x1e: {  	s7 =	smul.u32 @!p0 $0xF7A, s2;
	p2 =	seq.s32 @!p0 s5, $0x0  }
0x1f: {  	s9 =	smul.u32 $0xF7A, s1;
	s8 =	simm.s32 @!p0 $0x1BF5;
	p2 =	por !p2, p0  }
0x20: {  	[sflag:s8] =	ssyncset.s32 @!p0 $0xFFFFF086;
	s6 =	sadd.s32 @!p0 s3, s7;
	s7 =	simm.s32 @!p0 $0x108  }
0x21: {  	s3 =	sadd.s32 s3, s9;
	s6 =	sadd.s32 @!p0 $0x88, s6;
	s7 =	simm.s32 @p2 $0x1082  }
0x22: {  	[simem:s7], [sflag:s8] =	dma.local @!p0 [hbm:s6], $0xF7A  }
0x23: {  	s9 =	sor.u32 $0xD0000000, s2;
	s6 =	simm.s32 $0x108;
	_ =	swait.ge @!p0 [sflag:s8], $0x0  }
0x24: {  	s3 =	sadd.s32 $0x88, s3;
	s6 =	simm.s32 @!p1 $0x1082;
	[sflag:s4] =	ssyncset.s32 $0xFFFFF086  }
0x25: {  	[simem:s6], [sflag:s4] =	dma.local [hbm:s3], $0xF7A  }
0x26: {  	[smem:$0x3F96] =	sst s1;
	(tag) =	ssettag s2;
	_ =	strace s9  }
0x27: {  	s1 =	sld [smem:$0x3FA6]  }
0x28: {  	s2 =	sld [smem:$0x3FA7]  }
0x29: {  	s4 =	sld [smem:$0x3FA9]  }
0x2a: {  	p0 =	seq.s32 s5, $0x0;
	s5 =	sld [smem:$0x3FAA]  }
0x2b: {  	s6 =	sld [smem:$0x3FAB]  }
0x2c: {  	s7 =	sld [smem:$0x3FAC]  }
0x2d: {  	s3 =	simm.s32 $0x108;
	s8 =	sld [smem:$0x3FAD]  }
0x2e: {  	s3 =	simm.s32 @!p0 $0x1082;
	s9 =	sld [smem:$0x3FAE]  }
0x2f: {  	lr =	sadd.s32 s0, s3;
	s0 =	sld [smem:$0x3FA5]  }
0x30: {  	s3 =	sld [smem:$0x3FA8]  }
0x31: {  	[smem:$0x3FB1] =	sst s10  }
0x32: {  	s10 =	sld [smem:$0x3FAF];
	_ =	sdelay $0x3  }
0x33: {  	p0 =	seq.s32 s10, $0x1;
	s10 =	sld [smem:$0x3FB1];
	_ =	sdelay $0x3  }
0x34: {  	[smem:$0x3FB1] =	sst s10  }
0x35: {  	s10 =	sld [smem:$0x3FB0];
	_ =	sdelay $0x3  }
0x36: {  	p1 =	seq.s32 s10, $0x1;
	s10 =	sld [smem:$0x3FB1];
	_ =	sdelay $0x3  }
0x37: {  	[smem:$0x3FB1] =	sst s10  }
0x38: {  	s10 =	sld [smem:$0x3FB2]  }
0x39: {  	_ = 	snop;
	(pc) =	sbr.ind lr, $3  }
0x3a: {  	_ = 	snop  }
0x3b: {  	_ = 	snop  }
0x3c: {  	p2 =	seq.s32 s10, $0x1;
	s10 =	sld [smem:$0x3FB1]  }
0x3d: {  	_ =	shalt  }
0x3e: {  	_ =	shalt  }
0x3f: {  	_ =	shalt  }
0x40: {  	_ =	shalt  }
0x41: {  	_ =	shalt  }
0x42: {  	_ =	shalt  }
0x43: {  	_ =	shalt  }
0x44: {  	_ =	shalt  }
0x45: {  	_ =	shalt  }
0x46: {  	_ =	shalt  }
0x47: {  	_ =	shalt  }
0x48: {  	_ =	shalt  }
0x49: {  	_ =	shalt  }
0x4a: {  	_ =	shalt  }
0x4b: {  	_ =	shalt  }
0x4c: {  	_ =	shalt  }
0x4d: {  	_ =	shalt  }
0x4e: {  	_ =	shalt  }
0x4f: {  	_ =	shalt  }
0x50: {  	_ =	shalt  }
0x51: {  	_ =	shalt  }
0x52: {  	_ =	shalt  }
0x53: {  	_ =	shalt  }
0x54: {  	_ =	shalt  }
0x55: {  	_ =	shalt  }
0x56: {  	_ =	shalt  }
0x57: {  	_ =	shalt  }
0x58: {  	_ =	shalt  }
0x59: {  	_ =	shalt  }
0x5a: {  	_ =	shalt  }
0x5b: {  	_ =	shalt  }
0x5c: {  	_ =	shalt  }
0x5d: {  	_ =	shalt  }
0x5e: {  	_ =	shalt  }
0x5f: {  	_ =	shalt  }
0x60: {  	_ =	shalt  }
0x61: {  	_ =	shalt  }
0x62: {  	_ =	shalt  }
0x63: {  	_ =	shalt  }
0x64: {  	_ =	shalt  }
0x65: {  	_ =	shalt  }
0x66: {  	_ =	shalt  }
0x67: {  	_ =	shalt  }
0x68: {  	_ =	shalt  }
0x69: {  	_ =	shalt  }
0x6a: {  	_ =	shalt  }
0x6b: {  	_ =	shalt  }
0x6c: {  	_ =	shalt  }
0x6d: {  	_ =	shalt  }
0x6e: {  	_ =	shalt  }
0x6f: {  	_ =	shalt  }
0x70: {  	_ =	shalt  }
0x71: {  	_ =	shalt  }
0x72: {  	_ =	shalt  }
0x73: {  	_ =	shalt  }
0x74: {  	_ =	shalt  }
0x75: {  	_ =	shalt  }
0x76: {  	_ =	shalt  }
0x77: {  	_ =	shalt  }
0x78: {  	_ =	shalt  }
0x79: {  	_ =	shalt  }
0x7a: {  	_ =	shalt  }
0x7b: {  	_ =	shalt  }
0x7c: {  	_ =	shalt  }
0x7d: {  	_ =	shalt  }
0x7e: {  	_ =	shalt  }
0x7f: {  	_ =	shalt  }
0x80: {  	_ =	shalt  }
0x81: {  	_ =	shalt  }
0x82: {  	_ =	shalt  }
0x83: {  	_ =	shalt  }
0x84: {  	_ =	shalt  }
0x85: {  	_ =	shalt  }
0x86: {  	_ =	shalt  }
0x87: {  	_ =	shalt  }
.Lfunc_end0:
.L_simem_size_0:
called_computation_lowered:
.L_overlay_start_0:
0x88: {  	s2 =	sld [smem:$0x3FD9]  }
0x89: {  	s3 =	sld [smem:$0x3FFE];
	_ =	sdelay $0x1  }
0x8a: {  	s1 =	srdreg.scid  }
0x8b: {  	s0 =	sand.u32 $0x1, s1  }
0x8c: {  	s16 =	sshll.u32 s0, $0xA;
	s2 =	sadd.s32 s3, s2  }
0x8d: {  	s2 =	sadd.s32 s2, s16  }
0x8e: {  	[smem:$0x3FBD] =	sst s2  }
0x8f: {  	_ = 	snop  }
0x90: {  	(tm) =	ssettm $0x1  }
0x91: {  	s17 =	sld [smem:$0x3FFB];
	_ =	sdelay $0x3  }
0x92: {  	_ =	strace s17  }
0x93: {  	s2 =	sld [smem:$0x3FFC];
	_ =	sdelay $0x3  }
0x94: {  	_ =	strace s2  }
0x95: {  	s2 =	sld [smem:$0x3FFD];
	_ =	sdelay $0x3  }
0x96: {  	_ =	strace s2  }
0x97: {  	_ =	strace $0x8FFFFFFF  }
0x98: {  	s18 =	sld [smem:$0x3FDB];
	_ =	sdelay $0x1  }
0x99: {  	s19 =	simm.s32 $_scs_section_size  }
0x9a: {  	s4 =	simm.s32 $_size__tile_overlayer_lowered;
	s5 =	simm.s32 $_tile_overlayer_lowered  }
0x9b: {  	s22 =	simm.s32 $0x1BFF;
	s21 =	sshll.u32 s5, $0x1;
	s2 =	sadd.s32 s19, s18  }
0x9c: {  	s6 =	simm.s32 $0x0;
	s20 =	sshll.u32 s4, $0x1;
	s4 =	sadd.s32 s21, s2  }
0x9d: {  	[timem:s6], [sflag:s22] =	dma.local [hbm:s4], s20  }
0x9e: {  	_ =	swait.ge [sflag:s22], s20  }
0x9f: {  	s3 =	ssub.s32 $0x0, s20;
	[sflag:s22] =	ssyncset.done $0x0  }
0xa0: {  	[sflag:s22] =	ssyncadd.s32 s3;
	_ =	sdelay $0x1  }
0xa1: {  	s23 =	simm.s32 $0x1B8B  }
0xa2: {  	_ =	swait.ge [sflag:s23], $0x1  }
0xa3: {  	[sflag:s23] =	ssyncset.done $0x0  }
0xa4: {  	s25 =	simm.s32 $0x1B8E;
	s24 =	sld [smem:$0x3FFE];
	[sflag:s23] =	ssyncadd.s32 $0xFFFFFFFF  }
0xa5: {  	s26 =	simm.s32 $execute0_lowered;
	[smem:$0x3FD2] =	sst s25  }
0xa6: {  	s4 =	sshll.u32 s26, $0x1;
	_ =	strace $0x80000046;
	[dreg:$0x1] =	wrdreg $0xFFFFFFFF  }
0xa7: {  	s28 =	simm.s32 $_size_execute0_lowered;
	s2 =	sadd.s32 s2, s4;
	[dreg:$0x0] =	wrdreg $0x0  }
0xa8: {  	s4 =	sshll.u32 s28, $0x1;
	[dreg:$0x2] =	wrdreg s2  }
0xa9: {  	[dreg:$0x3] =	wrdreg s4  }
0xaa: {  	[dreg:$0x4] =	wrdreg $0xC0  }
0xab: {  	_ =	task [dreg:s6], $0x5FFFF  }
0xac: {  	[dreg:$0x1] =	wrdreg $0xFFFFFFFF  }
0xad: {  	[dreg:$0x0] =	wrdreg $0x60  }
0xae: {  	[dreg:$0x2] =	wrdreg s24  }
0xaf: {  	[dreg:$0x3] =	wrdreg $0x9  }
0xb0: {  	_ =	task.clear_ibuf [dreg:s6], $0x4FFFF;
	_ =	strace $0x90000046  }
0xb1: {  	s29 =	simm.s32 $0x9;
	_ =	strace $0x80000048  }
0xb2: {  	_ =	swait.ge [sflag:s29], $0x1  }
0xb3: {  	[sflag:s29] =	ssyncadd.s32 $0xFFFFFFFF  }
0xb4: {  	_ =	strace $0x90000048  }
0xb5: {  	_ =	sfence  }
0xb6: {  	s30 =	sld [smem:$0x0];
	_ =	sdelay $0x2  }
0xb7: {  	s31 =	sshll.u32 s1, $0xD;
	s1 =	sshrl.u32 s1, $0x2  }
0xb8: {  	s3 =	sand.u32 $0x4000, s31;
	s1 =	sadd.s32 s1, s30  }
0xb9: {  	s0 =	sor.u32 s3, s0;
	s1 =	sshll.u32 s1, $0x11  }
0xba: {  	s0 =	sor.u32 s1, s0  }
0xbb: {  	s0 =	sadd.s32 $0x8F2B, s0  }
0xbc: {  	[sflag:s0] =	ssyncadd.remote.s32 $0x1  }
0xbd: {  	_ =	sfence.sel $0xFFFF  }
0xbe: {  	[dreg:$0x0] =	wrdreg $0xFFFFFFFF;
	(pc) =	sbr.abs _section_cstart, $3  }
0xbf: {  	[dreg:$0x1] =	wrdreg $0xFFFFFFFF  }
0xc0: {  	_ =	task.clear_ibuf [dreg:s6], $0x2FFFF;
	_ =	strace $0x9FFFFFFF  }
0xc1: {  	(tm) =	ssettm $0x7FFFFFFF  }
tec
execute0_lowered:
.L_overlay_start_1:
0x0: {  	(tag) =	ssettag $0x1  }
0x1: {  	s1 =	srdreg.scid;
	s0 =	stileid.u32  }
0x2: {  	s16 =	sand.u32 $0x1, s1;
	s30 =	sshll.u32 s0, $0x1  }
0x3: {  	s8 =	sor.u32 s16, s30  }
0x4: {  	s3 =	smul.u32 $0x5000, s8  }
0x5: {  	s9 =	rddreg [dreg:$0x0]  }
0x6: {  	s2 =	simm.s32 $0x0;
	s1 =	rddreg [dreg:$0x1];
	s3 =	sshrl.u32 s3, $0x3  }
0x7: {  	[smem:$0x7FF] =	sst s2;
	s15 =	sadd.s32 s3, s9  }
0x8: {  	_ =	strace $0x80000047;
	s3 =	simm.s32 $0x2;
	s4 =	sadd.s32 $0x141A00, s15  }
0x9: {  	[tilespmem:s2], [sflag:$0x2] =	stream.linear.gather [hbm4b:s4+s2], $0x1000, $0x38;
	[tilespmem:$0x11000] =	vst v63  }
0xa: {  	_ =	swait.ge [sflag:s3], $0x1000  }
0xb: {  	s6 =	simm.s32 $0x1000;
	[sflag:s3] =	ssyncset.done $0x0  }
0xc: {  	s7 =	simm.s32 $0x1;
	s5 =	sadd.s32 $0x155A00, s9;
	[sflag:s3] =	ssyncadd.s32 $0xFFFFF000  }
0xd: {  	[tilespmem:s6], [sflag:$0x1] =	stream.indirect.gather [hbm4b:s5+s6], $0x10, s2, s6, $0xb8;
	[tilespmem:$0x11000] =	vst v63  }
0xe: {  	s8 =	sshll.u32 s8, $0xD;
	_ =	swait.ge [sflag:s7], $0x10000  }
0xf: {  	s17 =	sadd.s32 s8, s9;
	[sflag:s7] =	ssyncset.done $0x0  }
0x10: {  	s8 =	sadd.s32 $0x1A00, s17;
	[sflag:s7] =	ssyncadd.s32 $0xFFFF0000  }
0x11: {  	[hbm4b:s8+s2] =	stream.linear.scatter [tilespmem:s6], [sflag:$0x2], $0x10000, $0x38;
	[tilespmem:$0x11000] =	vst v63  }
0x12: {  	_ =	swait.ge [sflag:s3], $0x10000  }
0x13: {  	[sflag:s3] =	ssyncset.done $0x0  }
0x14: {  	s9 =	sadd.s32 $0x141C00, s15;
	[sflag:s3] =	ssyncadd.s32 $0xFFFF0000  }
0x15: {  	[tilespmem:s2], [sflag:$0x2] =	stream.linear.gather [hbm4b:s9+s2], $0x1000, $0x38;
	[tilespmem:$0x11000] =	vst v63  }
0x16: {  	_ =	swait.ge [sflag:s3], $0x1000  }
0x17: {  	[sflag:s3] =	ssyncset.done $0x0  }
0x18: {  	[sflag:s3] =	ssyncadd.s32 $0xFFFFF000  }
0x19: {  	[tilespmem:s6], [sflag:$0x1] =	stream.indirect.gather [hbm4b:s5+s6], $0x10, s2, s6, $0xb8;
	[tilespmem:$0x11000] =	vst v63  }
0x1a: {  	_ =	swait.ge [sflag:s7], $0x10000  }
0x1b: {  	[sflag:s7] =	ssyncset.done $0x0  }
0x1c: {  	s10 =	sadd.s32 $0x41A00, s17;
	[sflag:s7] =	ssyncadd.s32 $0xFFFF0000  }
0x1d: {  	[hbm4b:s10+s2] =	stream.linear.scatter [tilespmem:s6], [sflag:$0x2], $0x10000, $0x38;
	[tilespmem:$0x11000] =	vst v63  }
0x1e: {  	_ =	swait.ge [sflag:s3], $0x10000  }
0x1f: {  	[sflag:s3] =	ssyncset.done $0x0  }
0x20: {  	s11 =	sadd.s32 $0x141E00, s15;
	[sflag:s3] =	ssyncadd.s32 $0xFFFF0000  }
0x21: {  	[tilespmem:s2], [sflag:$0x2] =	stream.linear.gather [hbm4b:s11+s2], $0x1000, $0x38;
	[tilespmem:$0x11000] =	vst v63  }
0x22: {  	_ =	swait.ge [sflag:s3], $0x1000  }
0x23: {  	[sflag:s3] =	ssyncset.done $0x0  }
0x24: {  	[sflag:s3] =	ssyncadd.s32 $0xFFFFF000  }
0x25: {  	[tilespmem:s6], [sflag:$0x1] =	stream.indirect.gather [hbm4b:s5+s6], $0x10, s2, s6, $0xb8;
	[tilespmem:$0x11000] =	vst v63  }
0x26: {  	_ =	swait.ge [sflag:s7], $0x10000  }
0x27: {  	[sflag:s7] =	ssyncset.done $0x0  }
0x28: {  	s12 =	sadd.s32 $0x81A00, s17;
	[sflag:s7] =	ssyncadd.s32 $0xFFFF0000  }
0x29: {  	[hbm4b:s12+s2] =	stream.linear.scatter [tilespmem:s6], [sflag:$0x2], $0x10000, $0x38;
	[tilespmem:$0x11000] =	vst v63  }
0x2a: {  	_ =	swait.ge [sflag:s3], $0x10000  }
0x2b: {  	[sflag:s3] =	ssyncset.done $0x0  }
0x2c: {  	s13 =	sadd.s32 $0x142000, s15;
	[sflag:s3] =	ssyncadd.s32 $0xFFFF0000  }
0x2d: {  	[tilespmem:s2], [sflag:$0x2] =	stream.linear.gather [hbm4b:s13+s2], $0x1000, $0x38;
	[tilespmem:$0x11000] =	vst v63  }
0x2e: {  	_ =	swait.ge [sflag:s3], $0x1000  }
0x2f: {  	[sflag:s3] =	ssyncset.done $0x0  }
0x30: {  	[sflag:s3] =	ssyncadd.s32 $0xFFFFF000  }
0x31: {  	[tilespmem:s6], [sflag:$0x1] =	stream.indirect.gather [hbm4b:s5+s6], $0x10, s2, s6, $0xb8;
	[tilespmem:$0x11000] =	vst v63  }
0x32: {  	_ =	swait.ge [sflag:s7], $0x10000  }
0x33: {  	[sflag:s7] =	ssyncset.done $0x0  }
0x34: {  	s14 =	sadd.s32 $0xC1A00, s17;
	[sflag:s7] =	ssyncadd.s32 $0xFFFF0000  }
0x35: {  	[hbm4b:s14+s2] =	stream.linear.scatter [tilespmem:s6], [sflag:$0x2], $0x10000, $0x38;
	[tilespmem:$0x11000] =	vst v63  }
0x36: {  	_ =	swait.ge [sflag:s3], $0x10000  }
0x37: {  	[sflag:s3] =	ssyncset.done $0x0  }
0x38: {  	s16 =	ssub.s32 $0x2, s16;
	s15 =	sadd.s32 $0x142200, s15;
	[sflag:s3] =	ssyncadd.s32 $0xFFFF0000  }
0x39: {  	[tilespmem:s2], [sflag:$0x2] =	stream.linear.gather [hbm4b:s15+s2], $0x1000, $0x38;
	[tilespmem:$0x11000] =	vst v63  }
0x3a: {  	s18 =	sshrl.u32 s16, $0x1;
	_ =	swait.ge [sflag:s3], $0x1000  }
0x3b: {  	s18 =	ssub.s32 s16, s18;
	[sflag:s3] =	ssyncset.done $0x0  }
0x3c: {  	s31 =	smax.u32 s18, $0x1;
	[sflag:s3] =	ssyncadd.s32 $0xFFFFF000  }
0x3d: {  	[tilespmem:s6], [sflag:$0x1] =	stream.indirect.gather [hbm4b:s5+s6], $0x10, s2, s6, $0xb8;
	[tilespmem:$0x11000] =	vst v63  }
0x3e: {  	p0 =	sne.s32 s31, $0x1;
	_ =	swait.ge [sflag:s7], $0x10000  }
.Ltmp0:
0x3f: {  	[sflag:s7] =	ssyncset.done $0x0;
	(pc) =	sbr.rel @!p0 .LBB2_2-.Ltmp0, $4  }
0x40: {  	s16 =	sadd.s32 $0x101A00, s17;
	[sflag:s7] =	ssyncadd.s32 $0xFFFF0000  }
0x41: {  	[hbm4b:s16+s2] =	stream.linear.scatter [tilespmem:s6], [sflag:$0x2], $0x10000, $0x38;
	[tilespmem:$0x11000] =	vst v63  }
0x42: {  	_ =	swait.ge [sflag:s3], $0x10000  }
0x43: {  	s17 =	sadd.s32 $0xFFFFFFFF, s31;
	[sflag:s3] =	ssyncset.done $0x0  }
.LBB2_1:
0x44: {  	p0 =	sne.s32 s17, $0x1;
	s17 =	sadd.s32 $0xFFFFFFFF, s17;
	[sflag:s3] =	ssyncadd.s32 $0xFFFF0000  }
0x45: {  	[tilespmem:s2], [sflag:$0x2] =	stream.linear.gather [hbm4b:s4+s2], $0x1000, $0x38;
	[tilespmem:$0x11000] =	vst v63  }
0x46: {  	_ =	swait.ge [sflag:s3], $0x1000  }
0x47: {  	[sflag:s3] =	ssyncset.done $0x0  }
0x48: {  	[sflag:s3] =	ssyncadd.s32 $0xFFFFF000  }
0x49: {  	[tilespmem:s6], [sflag:$0x1] =	stream.indirect.gather [hbm4b:s5+s6], $0x10, s2, s6, $0xb8;
	[tilespmem:$0x11000] =	vst v63  }
0x4a: {  	_ =	swait.ge [sflag:s7], $0x10000  }
0x4b: {  	[sflag:s7] =	ssyncset.done $0x0  }
0x4c: {  	[sflag:s7] =	ssyncadd.s32 $0xFFFF0000  }
0x4d: {  	[hbm4b:s8+s2] =	stream.linear.scatter [tilespmem:s6], [sflag:$0x2], $0x10000, $0x38;
	[tilespmem:$0x11000] =	vst v63  }
0x4e: {  	_ =	swait.ge [sflag:s3], $0x10000  }
0x4f: {  	[sflag:s3] =	ssyncset.done $0x0  }
0x50: {  	[sflag:s3] =	ssyncadd.s32 $0xFFFF0000  }
0x51: {  	[tilespmem:s2], [sflag:$0x2] =	stream.linear.gather [hbm4b:s9+s2], $0x1000, $0x38;
	[tilespmem:$0x11000] =	vst v63  }
0x52: {  	_ =	swait.ge [sflag:s3], $0x1000  }
0x53: {  	[sflag:s3] =	ssyncset.done $0x0  }
0x54: {  	[sflag:s3] =	ssyncadd.s32 $0xFFFFF000  }
0x55: {  	[tilespmem:s6], [sflag:$0x1] =	stream.indirect.gather [hbm4b:s5+s6], $0x10, s2, s6, $0xb8;
	[tilespmem:$0x11000] =	vst v63  }
0x56: {  	_ =	swait.ge [sflag:s7], $0x10000  }
0x57: {  	[sflag:s7] =	ssyncset.done $0x0  }
0x58: {  	[sflag:s7] =	ssyncadd.s32 $0xFFFF0000  }
0x59: {  	[hbm4b:s10+s2] =	stream.linear.scatter [tilespmem:s6], [sflag:$0x2], $0x10000, $0x38;
	[tilespmem:$0x11000] =	vst v63  }
0x5a: {  	_ =	swait.ge [sflag:s3], $0x10000  }
0x5b: {  	[sflag:s3] =	ssyncset.done $0x0  }
0x5c: {  	[sflag:s3] =	ssyncadd.s32 $0xFFFF0000  }
0x5d: {  	[tilespmem:s2], [sflag:$0x2] =	stream.linear.gather [hbm4b:s11+s2], $0x1000, $0x38;
	[tilespmem:$0x11000] =	vst v63  }
0x5e: {  	_ =	swait.ge [sflag:s3], $0x1000  }
0x5f: {  	[sflag:s3] =	ssyncset.done $0x0  }
0x60: {  	[sflag:s3] =	ssyncadd.s32 $0xFFFFF000  }
0x61: {  	[tilespmem:s6], [sflag:$0x1] =	stream.indirect.gather [hbm4b:s5+s6], $0x10, s2, s6, $0xb8;
	[tilespmem:$0x11000] =	vst v63  }
0x62: {  	_ =	swait.ge [sflag:s7], $0x10000  }
0x63: {  	[sflag:s7] =	ssyncset.done $0x0  }
0x64: {  	[sflag:s7] =	ssyncadd.s32 $0xFFFF0000  }
0x65: {  	[hbm4b:s12+s2] =	stream.linear.scatter [tilespmem:s6], [sflag:$0x2], $0x10000, $0x38;
	[tilespmem:$0x11000] =	vst v63  }
0x66: {  	_ =	swait.ge [sflag:s3], $0x10000  }
0x67: {  	[sflag:s3] =	ssyncset.done $0x0  }
0x68: {  	[sflag:s3] =	ssyncadd.s32 $0xFFFF0000  }
0x69: {  	[tilespmem:s2], [sflag:$0x2] =	stream.linear.gather [hbm4b:s13+s2], $0x1000, $0x38;
	[tilespmem:$0x11000] =	vst v63  }
0x6a: {  	_ =	swait.ge [sflag:s3], $0x1000  }
0x6b: {  	[sflag:s3] =	ssyncset.done $0x0  }
0x6c: {  	[sflag:s3] =	ssyncadd.s32 $0xFFFFF000  }
0x6d: {  	[tilespmem:s6], [sflag:$0x1] =	stream.indirect.gather [hbm4b:s5+s6], $0x10, s2, s6, $0xb8;
	[tilespmem:$0x11000] =	vst v63  }
0x6e: {  	_ =	swait.ge [sflag:s7], $0x10000  }
0x6f: {  	[sflag:s7] =	ssyncset.done $0x0  }
0x70: {  	[sflag:s7] =	ssyncadd.s32 $0xFFFF0000  }
0x71: {  	[hbm4b:s14+s2] =	stream.linear.scatter [tilespmem:s6], [sflag:$0x2], $0x10000, $0x38;
	[tilespmem:$0x11000] =	vst v63  }
0x72: {  	_ =	swait.ge [sflag:s3], $0x10000  }
0x73: {  	[sflag:s3] =	ssyncset.done $0x0  }
0x74: {  	[sflag:s3] =	ssyncadd.s32 $0xFFFF0000  }
0x75: {  	[tilespmem:s2], [sflag:$0x2] =	stream.linear.gather [hbm4b:s15+s2], $0x1000, $0x38;
	[tilespmem:$0x11000] =	vst v63  }
0x76: {  	_ =	swait.ge [sflag:s3], $0x1000  }
0x77: {  	[sflag:s3] =	ssyncset.done $0x0  }
0x78: {  	[sflag:s3] =	ssyncadd.s32 $0xFFFFF000  }
0x79: {  	[tilespmem:s6], [sflag:$0x1] =	stream.indirect.gather [hbm4b:s5+s6], $0x10, s2, s6, $0xb8;
	[tilespmem:$0x11000] =	vst v63  }
0x7a: {  	_ =	swait.ge [sflag:s7], $0x10000  }
.Ltmp1:
0x7b: {  	[sflag:s7] =	ssyncset.done $0x0;
	(pc) =	sbr.rel @p0 .LBB2_1-.Ltmp1, $4  }
0x7c: {  	[sflag:s7] =	ssyncadd.s32 $0xFFFF0000  }
0x7d: {  	[hbm4b:s16+s2] =	stream.linear.scatter [tilespmem:s6], [sflag:$0x2], $0x10000, $0x38;
	[tilespmem:$0x11000] =	vst v63  }
0x7e: {  	_ =	swait.ge [sflag:s3], $0x10000  }
0x7f: {  	[sflag:s3] =	ssyncset.done $0x0  }
.LBB2_2:
0x80: {  	[sflag:s3] =	ssyncadd.s32 $0xFFFF0000  }
0x81: {  	_ =	sfence.sel $0x180000  }
0x82: {  	[bflag:$0x0] =	sbarrier.arrive $0xFFFF  }
0x83: {  	p0 =	sne.s32 s0, $0x0;
	_ =	strace $0x90000047  }
0x84: {  	s0 =	sadd.s32 @!p0 $0x100000, s1;
	[bflag:$0x2] =	sbarrier.arrive $0xFFFF  }
0x85: {  	[sflag:s0] =	ssyncadd.tile.s32 @!p0 $0x1;
	_ =	shalt  }
.Lfunc_end2:
_tile_overlayer_lowered:
.L_overlay_start_2:
0x86: {  	(tag) =	ssettag $0x2  }
0x87: {  	s0 =	rddreg [dreg:$0x0];
	s2 =	stileid.u32  }
0x88: {  	s1 =	rddreg [dreg:$0x1];
	p0 =	sne.s32 s2, $0x0  }
0x89: {  	s3 =	rddreg [dreg:$0x2];
	[bflag:$0x3] =	sbarrier.arrive $0xFFFF;
	s2 =	simm.s32 @!p0 $0x1C02  }
0x8a: {  	[timem:s3], [sflag:s2] =	dma.local @!p0 [hbm:s0], s1  }
0x8b: {  	s0 =	simm.s32 @!p0 $0x2  }
0x8c: {  	_ =	swait.ge @!p0 [sflag:s0], s1  }
0x8d: {  	s1 =	ssub.s32 @!p0 $0x0, s1;
	[sflag:s0] =	ssyncset.done @!p0 $0x0  }
0x8e: {  	[sflag:s0] =	ssyncadd.s32 @!p0 s1  }
0x8f: {  	[bflag:$0x3] =	sbarrier.arrive $0xFFFF  }
0x90: {  	_ =	shalt  }

</sc_bundles>
